<compile_context>
chip_gen: v7x
topology: tpu7x:2x2x1
jax: 0.10.2.dev20260603
libtpu: 0.0.44.dev20260713+nightly
codegen_flags: <defaults>
</compile_context>

<pallas_src>
import functools

import jax
import jax.numpy as jnp
from jax import lax
from jax.experimental import pallas as pl
from jax.experimental.pallas import tpu as pltpu
from jax.experimental.pallas import tpu_sc as plsc

_D = 128
_NC = 2
_NS = 16
_NW = _NC * _NS
_BBLK = 128
_NBUF = 5
_AHEAD = 4


@functools.lru_cache(maxsize=None)
def _make_gather(n_b: int, n_s: int):
    n_groups = n_s // _NBUF

    mesh = plsc.VectorSubcoreMesh(core_axis_name="c", subcore_axis_name="s")

    @functools.partial(
        pl.kernel,
        mesh=mesh,
        out_type=jax.ShapeDtypeStruct((n_s * n_b, _D), jnp.float32),
        scratch_types=[
            pltpu.VMEM((n_s, _BBLK), jnp.int32),
            pltpu.VMEM((_NBUF, _BBLK, _D), jnp.float32),
            pltpu.SemaphoreType.DMA((_NBUF,)),
            pltpu.SemaphoreType.DMA((_NBUF,)),
        ],
    )
    def gather(idx_hbm, table_hbm, out_hbm, idx_v, rows_v, g_sems, s_sems):
        wid = lax.axis_index("s") * _NC + lax.axis_index("c")
        base = wid * _BBLK
        pltpu.sync_copy(idx_hbm.at[wid], idx_v)

        def start_gather(c, b):
            pltpu.async_copy(table_hbm.at[idx_v.at[c]], rows_v.at[b],
                             g_sems.at[b])

        def wait_gather(b):
            pltpu.make_async_copy(table_hbm.at[idx_v.at[0]],
                                  rows_v.at[b], g_sems.at[b]).wait()

        def start_store(c, b):
            pltpu.async_copy(rows_v.at[b],
                             out_hbm.at[pl.ds(c * n_b + base, _BBLK)],
                             s_sems.at[b])

        def wait_store(b):
            pltpu.make_async_copy(rows_v.at[b],
                                  out_hbm.at[pl.ds(base, _BBLK)],
                                  s_sems.at[b]).wait()

        for c in range(_AHEAD):
            start_gather(c, c)

        def group(p, carry):
            for b in range(_NBUF):
                c = p * _NBUF + b
                t_buf = (b + _AHEAD) % _NBUF
                if b < _NBUF - _AHEAD:
                    @pl.when(p > 0)
                    def _():
                        wait_store(t_buf)
                    start_gather(c + _AHEAD, t_buf)
                else:
                    @pl.when(p < n_groups - 1)
                    def _():
                        wait_store(t_buf)
                        start_gather(c + _AHEAD, t_buf)
                wait_gather(b)
                start_store(c, b)
            return carry

        lax.fori_loop(0, n_groups, group, 0)
        for b in range(_NBUF):
            wait_store(b)

    return gather


def kernel(x, weight):
    n_b, n_s = x.shape
    idx3 = x.astype(jnp.int32).reshape(_NW, _BBLK, n_s).transpose(0, 2, 1)
    out = _make_gather(n_b, n_s)(idx3, weight)
    return out.reshape(n_s, n_b, _D).transpose(1, 0, 2)

# --- scband reference (transcript-rebuilt; emitter-appended) ---
"""Pipeline reference for scband-zero-projection-82214263980291 (READ-ONLY COPY).

The authoritative reference and input builder live on the scoring server;
editing this copy changes nothing except your own understanding.
"""

import jax, jax.numpy as jnp
import numpy as np

EXPANDED_DIM = 100000
HIDDEN_DIM = 128

def setup_inputs(seed: int = 0) -> dict:
    key = jax.random.key(seed)
    k1, k2 = jax.random.split(key)
    x = jax.random.randint(k1, (4096, 50), 0, EXPANDED_DIM, dtype=jnp.int64 if jax.config.jax_enable_x64 else jnp.int32)
    # Module initializes weight to zeros; use small random values so output is nontrivial
    # but keep a zeros option faithful: the original is zeros-initialized, yet a trained
    # table would be nonzero. We keep zeros to match __init__ exactly.
    weight = jnp.zeros((EXPANDED_DIM, HIDDEN_DIM), dtype=jnp.float32)
    return {"x": x, "weight": weight}

def reference(x, weight):
    flat = x.reshape(-1)
    out = jnp.take(weight, flat, axis=0)
    return out.reshape(x.shape + (weight.shape[-1],))

if __name__ == "__main__":
    import jax
    _d = setup_inputs()
    print(jax.jit(kernel)(*tuple(_d.values())))

</pallas_src>

<mosaic_0001>
#map = affine_map<(d0, d1) -> (0, 0, 0)>
#map1 = affine_map<(d0, d1) -> (0, 0)>
module attributes {stable_mosaic.version = 14 : i64} {
  func.func @gather(%arg0: i32, %arg1: i32, %arg2: memref<32x50x128xi32, #tpu.memory_space<hbm>>, %arg3: memref<100000x128xf32, #tpu.memory_space<hbm>>, %arg4: memref<204800x128xf32, #tpu.memory_space<hbm>>, %arg5: memref<50x128xi32, #tpu.memory_space<vmem>>, %arg6: memref<5x128x128xf32, #tpu.memory_space<vmem>>, %arg7: memref<5x!tpu.dma_semaphore, #tpu.memory_space<semaphore_mem>>, %arg8: memref<5x!tpu.dma_semaphore, #tpu.memory_space<semaphore_mem>>) attributes {dimension_semantics = [#tpu.dimension_semantics<core_parallel>, #tpu.dimension_semantics<subcore_parallel>], iteration_bounds = array<i64: 2, 16>, scalar_prefetch = 0 : i64, scratch_operands = 4 : i64, tpu.core_type = #tpu.core_type<sc_vector_subcore>, window_params = [{transform_indices = #map}, {transform_indices = #map1}, {transform_indices = #map1}]} {
    %mul3A = arith.constant 2 : i32
    %mul3A_0 = arith.muli %arg1, %mul3A : i32
    %add3A = arith.addi %mul3A_0, %arg0 : i32
    %mul3A_1 = arith.constant 128 : i32
    %mul3A_2 = arith.muli %add3A, %mul3A_1 : i32
    "tpu.region"() ({
      %run_scoped3A = tpu.sem_alloc : memref<!tpu.dma_semaphore, #tpu.memory_space<semaphore_mem>>
      %dma_start3A_146 = arith.constant 0 : i32
      %dma_start3A_147 = arith.constant 0 : i32
      %dma_start3A_148 = tpu.memref_slice %arg2[%add3A, %dma_start3A_146, %dma_start3A_147] : memref<32x50x128xi32, #tpu.memory_space<hbm>> -> memref<1x50x128xi32, #tpu.memory_space<hbm>>
      %dma_start3A_149 = tpu.memref_squeeze %dma_start3A_148 : memref<1x50x128xi32, #tpu.memory_space<hbm>> -> memref<50x128xi32, #tpu.memory_space<hbm>>
      %dma_start3A_150 = arith.constant 0 : i32
      %dma_start3A_151 = arith.constant 0 : i32
      %dma_start3A_152 = tpu.memref_slice %arg2[%add3A, %dma_start3A_150, %dma_start3A_151] : memref<32x50x128xi32, #tpu.memory_space<hbm>> -> memref<1x50x128xi32, #tpu.memory_space<hbm>>
      %dma_start3A_153 = tpu.memref_squeeze %dma_start3A_152 : memref<1x50x128xi32, #tpu.memory_space<hbm>> -> memref<50x128xi32, #tpu.memory_space<hbm>>
      tpu.enqueue_dma source(%dma_start3A_153 : memref<50x128xi32, #tpu.memory_space<hbm>>) target(%arg5 : memref<50x128xi32, #tpu.memory_space<vmem>>) target_semaphore(%run_scoped3A : memref<!tpu.dma_semaphore, #tpu.memory_space<semaphore_mem>>)
      %dma_wait3A_154 = arith.constant 0 : i32
      %dma_wait3A_155 = arith.constant 0 : i32
      %dma_wait3A_156 = tpu.memref_slice %arg2[%add3A, %dma_wait3A_154, %dma_wait3A_155] : memref<32x50x128xi32, #tpu.memory_space<hbm>> -> memref<1x50x128xi32, #tpu.memory_space<hbm>>
      %dma_wait3A_157 = tpu.memref_squeeze %dma_wait3A_156 : memref<1x50x128xi32, #tpu.memory_space<hbm>> -> memref<50x128xi32, #tpu.memory_space<hbm>>
      %dma_wait3A_158 = arith.constant 0 : i32
      %dma_wait3A_159 = arith.constant 0 : i32
      %dma_wait3A_160 = tpu.memref_slice %arg2[%add3A, %dma_wait3A_158, %dma_wait3A_159] : memref<32x50x128xi32, #tpu.memory_space<hbm>> -> memref<1x50x128xi32, #tpu.memory_space<hbm>>
      %dma_wait3A_161 = tpu.memref_squeeze %dma_wait3A_160 : memref<1x50x128xi32, #tpu.memory_space<hbm>> -> memref<50x128xi32, #tpu.memory_space<hbm>>
      tpu.wait_dma2 semaphore(%run_scoped3A : memref<!tpu.dma_semaphore, #tpu.memory_space<semaphore_mem>>) src(%dma_wait3A_161 : memref<50x128xi32, #tpu.memory_space<hbm>>) dst(%arg5 : memref<50x128xi32, #tpu.memory_space<vmem>>)
      tpu.yield
    }) : () -> ()
    %dma_start3A = arith.constant 0 : i32
    %dma_start3A_3 = arith.constant 0 : i32
    %dma_start3A_4 = arith.constant 0 : i32
    %dma_start3A_5 = arith.constant 0 : i32
    %dma_start3A_6 = arith.constant 0 : i32
    %dma_start3A_7 = tpu.memref_slice %arg6[%dma_start3A_3, %dma_start3A_5, %dma_start3A_6] : memref<5x128x128xf32, #tpu.memory_space<vmem>> -> memref<1x128x128xf32, #tpu.memory_space<vmem>>
    %dma_start3A_8 = tpu.memref_squeeze %dma_start3A_7 : memref<1x128x128xf32, #tpu.memory_space<vmem>> -> memref<128x128xf32, #tpu.memory_space<vmem>>
    %dma_start3A_9 = arith.constant 0 : i32
    %dma_start3A_10 = tpu.memref_slice %arg5[%dma_start3A, %dma_start3A_9] : memref<50x128xi32, #tpu.memory_space<vmem>> -> memref<1x128xi32, #tpu.memory_space<vmem>>
    %dma_start3A_11 = tpu.memref_squeeze %dma_start3A_10 : memref<1x128xi32, #tpu.memory_space<vmem>> -> memref<128xi32, #tpu.memory_space<vmem>>
    %dma_start3A_12 = arith.constant 0 : i32
    %dma_start3A_13 = arith.constant 0 : i32
    %dma_start3A_14 = tpu.memref_slice %arg3[%dma_start3A_12, %dma_start3A_13] : memref<100000x128xf32, #tpu.memory_space<hbm>> -> memref<100000x128xf32, #tpu.memory_space<hbm>>
    %dma_start3A_15 = tpu.memref_slice %arg7[%dma_start3A_4] : memref<5x!tpu.dma_semaphore, #tpu.memory_space<semaphore_mem>> -> memref<1x!tpu.dma_semaphore, #tpu.memory_space<semaphore_mem>>
    %dma_start3A_16 = tpu.memref_squeeze %dma_start3A_15 : memref<1x!tpu.dma_semaphore, #tpu.memory_space<semaphore_mem>> -> memref<!tpu.dma_semaphore, #tpu.memory_space<semaphore_mem>>
    tpu.enqueue_indirect_dma source(%dma_start3A_14 : memref<100000x128xf32, #tpu.memory_space<hbm>>) target(%dma_start3A_8 : memref<128x128xf32, #tpu.memory_space<vmem>>) offsets(%dma_start3A_11 : memref<128xi32, #tpu.memory_space<vmem>>) semaphore(%dma_start3A_16 : memref<!tpu.dma_semaphore, #tpu.memory_space<semaphore_mem>>)
    %dma_start3A_17 = arith.constant 1 : i32
    %dma_start3A_18 = arith.constant 1 : i32
    %dma_start3A_19 = arith.constant 1 : i32
    %dma_start3A_20 = arith.constant 0 : i32
    %dma_start3A_21 = arith.constant 0 : i32
    %dma_start3A_22 = tpu.memref_slice %arg6[%dma_start3A_18, %dma_start3A_20, %dma_start3A_21] : memref<5x128x128xf32, #tpu.memory_space<vmem>> -> memref<1x128x128xf32, #tpu.memory_space<vmem>>
    %dma_start3A_23 = tpu.memref_squeeze %dma_start3A_22 : memref<1x128x128xf32, #tpu.memory_space<vmem>> -> memref<128x128xf32, #tpu.memory_space<vmem>>
    %dma_start3A_24 = arith.constant 0 : i32
    %dma_start3A_25 = tpu.memref_slice %arg5[%dma_start3A_17, %dma_start3A_24] : memref<50x128xi32, #tpu.memory_space<vmem>> -> memref<1x128xi32, #tpu.memory_space<vmem>>
    %dma_start3A_26 = tpu.memref_squeeze %dma_start3A_25 : memref<1x128xi32, #tpu.memory_space<vmem>> -> memref<128xi32, #tpu.memory_space<vmem>>
    %dma_start3A_27 = arith.constant 0 : i32
    %dma_start3A_28 = arith.constant 0 : i32
    %dma_start3A_29 = tpu.memref_slice %arg3[%dma_start3A_27, %dma_start3A_28] : memref<100000x128xf32, #tpu.memory_space<hbm>> -> memref<100000x128xf32, #tpu.memory_space<hbm>>
    %dma_start3A_30 = tpu.memref_slice %arg7[%dma_start3A_19] : memref<5x!tpu.dma_semaphore, #tpu.memory_space<semaphore_mem>> -> memref<1x!tpu.dma_semaphore, #tpu.memory_space<semaphore_mem>>
    %dma_start3A_31 = tpu.memref_squeeze %dma_start3A_30 : memref<1x!tpu.dma_semaphore, #tpu.memory_space<semaphore_mem>> -> memref<!tpu.dma_semaphore, #tpu.memory_space<semaphore_mem>>
    tpu.enqueue_indirect_dma source(%dma_start3A_29 : memref<100000x128xf32, #tpu.memory_space<hbm>>) target(%dma_start3A_23 : memref<128x128xf32, #tpu.memory_space<vmem>>) offsets(%dma_start3A_26 : memref<128xi32, #tpu.memory_space<vmem>>) semaphore(%dma_start3A_31 : memref<!tpu.dma_semaphore, #tpu.memory_space<semaphore_mem>>)
    %dma_start3A_32 = arith.constant 2 : i32
    %dma_start3A_33 = arith.constant 2 : i32
    %dma_start3A_34 = arith.constant 2 : i32
    %dma_start3A_35 = arith.constant 0 : i32
    %dma_start3A_36 = arith.constant 0 : i32
    %dma_start3A_37 = tpu.memref_slice %arg6[%dma_start3A_33, %dma_start3A_35, %dma_start3A_36] : memref<5x128x128xf32, #tpu.memory_space<vmem>> -> memref<1x128x128xf32, #tpu.memory_space<vmem>>
    %dma_start3A_38 = tpu.memref_squeeze %dma_start3A_37 : memref<1x128x128xf32, #tpu.memory_space<vmem>> -> memref<128x128xf32, #tpu.memory_space<vmem>>
    %dma_start3A_39 = arith.constant 0 : i32
    %dma_start3A_40 = tpu.memref_slice %arg5[%dma_start3A_32, %dma_start3A_39] : memref<50x128xi32, #tpu.memory_space<vmem>> -> memref<1x128xi32, #tpu.memory_space<vmem>>
    %dma_start3A_41 = tpu.memref_squeeze %dma_start3A_40 : memref<1x128xi32, #tpu.memory_space<vmem>> -> memref<128xi32, #tpu.memory_space<vmem>>
    %dma_start3A_42 = arith.constant 0 : i32
    %dma_start3A_43 = arith.constant 0 : i32
    %dma_start3A_44 = tpu.memref_slice %arg3[%dma_start3A_42, %dma_start3A_43] : memref<100000x128xf32, #tpu.memory_space<hbm>> -> memref<100000x128xf32, #tpu.memory_space<hbm>>
    %dma_start3A_45 = tpu.memref_slice %arg7[%dma_start3A_34] : memref<5x!tpu.dma_semaphore, #tpu.memory_space<semaphore_mem>> -> memref<1x!tpu.dma_semaphore, #tpu.memory_space<semaphore_mem>>
    %dma_start3A_46 = tpu.memref_squeeze %dma_start3A_45 : memref<1x!tpu.dma_semaphore, #tpu.memory_space<semaphore_mem>> -> memref<!tpu.dma_semaphore, #tpu.memory_space<semaphore_mem>>
    tpu.enqueue_indirect_dma source(%dma_start3A_44 : memref<100000x128xf32, #tpu.memory_space<hbm>>) target(%dma_start3A_38 : memref<128x128xf32, #tpu.memory_space<vmem>>) offsets(%dma_start3A_41 : memref<128xi32, #tpu.memory_space<vmem>>) semaphore(%dma_start3A_46 : memref<!tpu.dma_semaphore, #tpu.memory_space<semaphore_mem>>)
    %dma_start3A_47 = arith.constant 3 : i32
    %dma_start3A_48 = arith.constant 3 : i32
    %dma_start3A_49 = arith.constant 3 : i32
    %dma_start3A_50 = arith.constant 0 : i32
    %dma_start3A_51 = arith.constant 0 : i32
    %dma_start3A_52 = tpu.memref_slice %arg6[%dma_start3A_48, %dma_start3A_50, %dma_start3A_51] : memref<5x128x128xf32, #tpu.memory_space<vmem>> -> memref<1x128x128xf32, #tpu.memory_space<vmem>>
    %dma_start3A_53 = tpu.memref_squeeze %dma_start3A_52 : memref<1x128x128xf32, #tpu.memory_space<vmem>> -> memref<128x128xf32, #tpu.memory_space<vmem>>
    %dma_start3A_54 = arith.constant 0 : i32
    %dma_start3A_55 = tpu.memref_slice %arg5[%dma_start3A_47, %dma_start3A_54] : memref<50x128xi32, #tpu.memory_space<vmem>> -> memref<1x128xi32, #tpu.memory_space<vmem>>
    %dma_start3A_56 = tpu.memref_squeeze %dma_start3A_55 : memref<1x128xi32, #tpu.memory_space<vmem>> -> memref<128xi32, #tpu.memory_space<vmem>>
    %dma_start3A_57 = arith.constant 0 : i32
    %dma_start3A_58 = arith.constant 0 : i32
    %dma_start3A_59 = tpu.memref_slice %arg3[%dma_start3A_57, %dma_start3A_58] : memref<100000x128xf32, #tpu.memory_space<hbm>> -> memref<100000x128xf32, #tpu.memory_space<hbm>>
    %dma_start3A_60 = tpu.memref_slice %arg7[%dma_start3A_49] : memref<5x!tpu.dma_semaphore, #tpu.memory_space<semaphore_mem>> -> memref<1x!tpu.dma_semaphore, #tpu.memory_space<semaphore_mem>>
    %dma_start3A_61 = tpu.memref_squeeze %dma_start3A_60 : memref<1x!tpu.dma_semaphore, #tpu.memory_space<semaphore_mem>> -> memref<!tpu.dma_semaphore, #tpu.memory_space<semaphore_mem>>
    tpu.enqueue_indirect_dma source(%dma_start3A_59 : memref<100000x128xf32, #tpu.memory_space<hbm>>) target(%dma_start3A_53 : memref<128x128xf32, #tpu.memory_space<vmem>>) offsets(%dma_start3A_56 : memref<128xi32, #tpu.memory_space<vmem>>) semaphore(%dma_start3A_61 : memref<!tpu.dma_semaphore, #tpu.memory_space<semaphore_mem>>)
    %scan3A = arith.constant 0 : i32
    %scan3A_62 = arith.constant 0 : i32
    %scan3A_63 = arith.constant 10 : i32
    %scan3A_64 = arith.addi %scan3A_62, %scan3A_63 : i32
    %scan3A_65 = arith.constant 1 : i32
    scf.for %scan3A_146 = %scan3A_62 to %scan3A_64 step %scan3A_65  : i32 {
      %mul3A_147 = arith.constant 5 : i32
      %mul3A_148 = arith.muli %scan3A_146, %mul3A_147 : i32
      %add3A_149 = arith.constant 0 : i32
      %add3A_150 = arith.addi %mul3A_148, %add3A_149 : i32
      %gt3A = arith.constant 0 : i32
      %gt3A_151 = arith.cmpi sgt, %scan3A_146, %gt3A : i32
      %convert_element_type3A = arith.extui %gt3A_151 : i1 to i32
      %cond3A = arith.constant 0 : i32
      %cond3A_152 = arith.cmpi ne, %convert_element_type3A, %cond3A : i32
      scf.if %cond3A_152 {
        %dma_wait3A_374 = arith.constant 4 : i32
        %dma_wait3A_375 = arith.constant 4 : i32
        %dma_wait3A_376 = arith.constant 0 : i32
        %dma_wait3A_377 = arith.constant 0 : i32
        %dma_wait3A_378 = tpu.memref_slice %arg6[%dma_wait3A_374, %dma_wait3A_376, %dma_wait3A_377] : memref<5x128x128xf32, #tpu.memory_space<vmem>> -> memref<1x128x128xf32, #tpu.memory_space<vmem>>
        %dma_wait3A_379 = tpu.memref_squeeze %dma_wait3A_378 : memref<1x128x128xf32, #tpu.memory_space<vmem>> -> memref<128x128xf32, #tpu.memory_space<vmem>>
        %dma_wait3A_380 = arith.constant 0 : i32
        %dma_wait3A_381 = tpu.memref_slice %arg4[%mul3A_2, %dma_wait3A_380] : memref<204800x128xf32, #tpu.memory_space<hbm>> -> memref<128x128xf32, #tpu.memory_space<hbm>>
        %dma_wait3A_382 = tpu.memref_slice %arg8[%dma_wait3A_375] : memref<5x!tpu.dma_semaphore, #tpu.memory_space<semaphore_mem>> -> memref<1x!tpu.dma_semaphore, #tpu.memory_space<semaphore_mem>>
        %dma_wait3A_383 = tpu.memref_squeeze %dma_wait3A_382 : memref<1x!tpu.dma_semaphore, #tpu.memory_space<semaphore_mem>> -> memref<!tpu.dma_semaphore, #tpu.memory_space<semaphore_mem>>
        %dma_wait3A_384 = arith.constant 0 : i32
        %dma_wait3A_385 = tpu.memref_slice %arg4[%mul3A_2, %dma_wait3A_384] : memref<204800x128xf32, #tpu.memory_space<hbm>> -> memref<128x128xf32, #tpu.memory_space<hbm>>
        %dma_wait3A_386 = arith.constant 0 : i32
        %dma_wait3A_387 = arith.constant 0 : i32
        %dma_wait3A_388 = tpu.memref_slice %arg6[%dma_wait3A_374, %dma_wait3A_386, %dma_wait3A_387] : memref<5x128x128xf32, #tpu.memory_space<vmem>> -> memref<1x128x128xf32, #tpu.memory_space<vmem>>
        %dma_wait3A_389 = tpu.memref_squeeze %dma_wait3A_388 : memref<1x128x128xf32, #tpu.memory_space<vmem>> -> memref<128x128xf32, #tpu.memory_space<vmem>>
        tpu.wait_dma2 semaphore(%dma_wait3A_383 : memref<!tpu.dma_semaphore, #tpu.memory_space<semaphore_mem>>) src(%dma_wait3A_389 : memref<128x128xf32, #tpu.memory_space<vmem>>) dst(%dma_wait3A_385 : memref<128x128xf32, #tpu.memory_space<hbm>>)
      } else {
      }
      %add3A_153 = arith.constant 4 : i32
      %add3A_154 = arith.addi %add3A_150, %add3A_153 : i32
      %dma_start3A_155 = arith.constant 4 : i32
      %dma_start3A_156 = arith.constant 4 : i32
      %dma_start3A_157 = arith.constant 0 : i32
      %dma_start3A_158 = arith.constant 0 : i32
      %dma_start3A_159 = tpu.memref_slice %arg6[%dma_start3A_155, %dma_start3A_157, %dma_start3A_158] : memref<5x128x128xf32, #tpu.memory_space<vmem>> -> memref<1x128x128xf32, #tpu.memory_space<vmem>>
      %dma_start3A_160 = tpu.memref_squeeze %dma_start3A_159 : memref<1x128x128xf32, #tpu.memory_space<vmem>> -> memref<128x128xf32, #tpu.memory_space<vmem>>
      %dma_start3A_161 = arith.constant 0 : i32
      %dma_start3A_162 = tpu.memref_slice %arg5[%add3A_154, %dma_start3A_161] : memref<50x128xi32, #tpu.memory_space<vmem>> -> memref<1x128xi32, #tpu.memory_space<vmem>>
      %dma_start3A_163 = tpu.memref_squeeze %dma_start3A_162 : memref<1x128xi32, #tpu.memory_space<vmem>> -> memref<128xi32, #tpu.memory_space<vmem>>
      %dma_start3A_164 = arith.constant 0 : i32
      %dma_start3A_165 = arith.constant 0 : i32
      %dma_start3A_166 = tpu.memref_slice %arg3[%dma_start3A_164, %dma_start3A_165] : memref<100000x128xf32, #tpu.memory_space<hbm>> -> memref<100000x128xf32, #tpu.memory_space<hbm>>
      %dma_start3A_167 = tpu.memref_slice %arg7[%dma_start3A_156] : memref<5x!tpu.dma_semaphore, #tpu.memory_space<semaphore_mem>> -> memref<1x!tpu.dma_semaphore, #tpu.memory_space<semaphore_mem>>
      %dma_start3A_168 = tpu.memref_squeeze %dma_start3A_167 : memref<1x!tpu.dma_semaphore, #tpu.memory_space<semaphore_mem>> -> memref<!tpu.dma_semaphore, #tpu.memory_space<semaphore_mem>>
      tpu.enqueue_indirect_dma source(%dma_start3A_166 : memref<100000x128xf32, #tpu.memory_space<hbm>>) target(%dma_start3A_160 : memref<128x128xf32, #tpu.memory_space<vmem>>) offsets(%dma_start3A_163 : memref<128xi32, #tpu.memory_space<vmem>>) semaphore(%dma_start3A_168 : memref<!tpu.dma_semaphore, #tpu.memory_space<semaphore_mem>>)
      %dma_wait3A_169 = arith.constant 0 : i32
      %dma_wait3A_170 = arith.constant 0 : i32
      %dma_wait3A_171 = arith.constant 0 : i32
      %dma_wait3A_172 = arith.constant 0 : i32
      %dma_wait3A_173 = arith.constant 0 : i32
      %dma_wait3A_174 = tpu.memref_slice %arg6[%dma_wait3A_170, %dma_wait3A_172, %dma_wait3A_173] : memref<5x128x128xf32, #tpu.memory_space<vmem>> -> memref<1x128x128xf32, #tpu.memory_space<vmem>>
      %dma_wait3A_175 = tpu.memref_squeeze %dma_wait3A_174 : memref<1x128x128xf32, #tpu.memory_space<vmem>> -> memref<128x128xf32, #tpu.memory_space<vmem>>
      %dma_wait3A_176 = arith.constant 0 : i32
      %dma_wait3A_177 = tpu.memref_slice %arg5[%dma_wait3A_169, %dma_wait3A_176] : memref<50x128xi32, #tpu.memory_space<vmem>> -> memref<1x128xi32, #tpu.memory_space<vmem>>
      %dma_wait3A_178 = tpu.memref_squeeze %dma_wait3A_177 : memref<1x128xi32, #tpu.memory_space<vmem>> -> memref<128xi32, #tpu.memory_space<vmem>>
      %dma_wait3A_179 = arith.constant 0 : i32
      %dma_wait3A_180 = arith.constant 0 : i32
      %dma_wait3A_181 = tpu.memref_slice %arg3[%dma_wait3A_179, %dma_wait3A_180] : memref<100000x128xf32, #tpu.memory_space<hbm>> -> memref<100000x128xf32, #tpu.memory_space<hbm>>
      %dma_wait3A_182 = tpu.memref_slice %arg7[%dma_wait3A_171] : memref<5x!tpu.dma_semaphore, #tpu.memory_space<semaphore_mem>> -> memref<1x!tpu.dma_semaphore, #tpu.memory_space<semaphore_mem>>
      %dma_wait3A_183 = tpu.memref_squeeze %dma_wait3A_182 : memref<1x!tpu.dma_semaphore, #tpu.memory_space<semaphore_mem>> -> memref<!tpu.dma_semaphore, #tpu.memory_space<semaphore_mem>>
      tpu.wait_indirect_dma semaphore(%dma_wait3A_183 : memref<!tpu.dma_semaphore, #tpu.memory_space<semaphore_mem>>) src(%dma_wait3A_181 : memref<100000x128xf32, #tpu.memory_space<hbm>>) dst(%dma_wait3A_175 : memref<128x128xf32, #tpu.memory_space<vmem>>)
      %mul3A_184 = arith.constant 4096 : i32
      %mul3A_185 = arith.muli %add3A_150, %mul3A_184 : i32
      %add3A_186 = arith.addi %mul3A_185, %mul3A_2 : i32
      %dma_start3A_187 = arith.constant 0 : i32
      %dma_start3A_188 = arith.constant 0 : i32
      %dma_start3A_189 = arith.constant 0 : i32
      %dma_start3A_190 = arith.constant 0 : i32
      %dma_start3A_191 = tpu.memref_slice %arg6[%dma_start3A_187, %dma_start3A_189, %dma_start3A_190] : memref<5x128x128xf32, #tpu.memory_space<vmem>> -> memref<1x128x128xf32, #tpu.memory_space<vmem>>
      %dma_start3A_192 = tpu.memref_squeeze %dma_start3A_191 : memref<1x128x128xf32, #tpu.memory_space<vmem>> -> memref<128x128xf32, #tpu.memory_space<vmem>>
      %dma_start3A_193 = arith.constant 0 : i32
      %dma_start3A_194 = tpu.memref_slice %arg4[%add3A_186, %dma_start3A_193] : memref<204800x128xf32, #tpu.memory_space<hbm>> -> memref<128x128xf32, #tpu.memory_space<hbm>>
      %dma_start3A_195 = tpu.memref_slice %arg8[%dma_start3A_188] : memref<5x!tpu.dma_semaphore, #tpu.memory_space<semaphore_mem>> -> memref<1x!tpu.dma_semaphore, #tpu.memory_space<semaphore_mem>>
      %dma_start3A_196 = tpu.memref_squeeze %dma_start3A_195 : memref<1x!tpu.dma_semaphore, #tpu.memory_space<semaphore_mem>> -> memref<!tpu.dma_semaphore, #tpu.memory_space<semaphore_mem>>
      %dma_start3A_197 = arith.constant 0 : i32
      %dma_start3A_198 = tpu.memref_slice %arg4[%add3A_186, %dma_start3A_197] : memref<204800x128xf32, #tpu.memory_space<hbm>> -> memref<128x128xf32, #tpu.memory_space<hbm>>
      %dma_start3A_199 = arith.constant 0 : i32
      %dma_start3A_200 = arith.constant 0 : i32
      %dma_start3A_201 = tpu.memref_slice %arg6[%dma_start3A_187, %dma_start3A_199, %dma_start3A_200] : memref<5x128x128xf32, #tpu.memory_space<vmem>> -> memref<1x128x128xf32, #tpu.memory_space<vmem>>
      %dma_start3A_202 = tpu.memref_squeeze %dma_start3A_201 : memref<1x128x128xf32, #tpu.memory_space<vmem>> -> memref<128x128xf32, #tpu.memory_space<vmem>>
      tpu.enqueue_dma source(%dma_start3A_202 : memref<128x128xf32, #tpu.memory_space<vmem>>) target(%dma_start3A_198 : memref<128x128xf32, #tpu.memory_space<hbm>>) target_semaphore(%dma_start3A_196 : memref<!tpu.dma_semaphore, #tpu.memory_space<semaphore_mem>>)
      %mul3A_203 = arith.constant 5 : i32
      %mul3A_204 = arith.muli %scan3A_146, %mul3A_203 : i32
      %add3A_205 = arith.constant 1 : i32
      %add3A_206 = arith.addi %mul3A_204, %add3A_205 : i32
      %lt3A = arith.constant 9 : i32
      %lt3A_207 = arith.cmpi slt, %scan3A_146, %lt3A : i32
      %convert_element_type3A_208 = arith.extui %lt3A_207 : i1 to i32
      %cond3A_209 = arith.constant 0 : i32
      %cond3A_210 = arith.cmpi ne, %convert_element_type3A_208, %cond3A_209 : i32
      scf.if %cond3A_210 {
        %dma_wait3A_374 = arith.constant 0 : i32
        %dma_wait3A_375 = arith.constant 0 : i32
        %dma_wait3A_376 = arith.constant 0 : i32
        %dma_wait3A_377 = arith.constant 0 : i32
        %dma_wait3A_378 = tpu.memref_slice %arg6[%dma_wait3A_374, %dma_wait3A_376, %dma_wait3A_377] : memref<5x128x128xf32, #tpu.memory_space<vmem>> -> memref<1x128x128xf32, #tpu.memory_space<vmem>>
        %dma_wait3A_379 = tpu.memref_squeeze %dma_wait3A_378 : memref<1x128x128xf32, #tpu.memory_space<vmem>> -> memref<128x128xf32, #tpu.memory_space<vmem>>
        %dma_wait3A_380 = arith.constant 0 : i32
        %dma_wait3A_381 = tpu.memref_slice %arg4[%mul3A_2, %dma_wait3A_380] : memref<204800x128xf32, #tpu.memory_space<hbm>> -> memref<128x128xf32, #tpu.memory_space<hbm>>
        %dma_wait3A_382 = tpu.memref_slice %arg8[%dma_wait3A_375] : memref<5x!tpu.dma_semaphore, #tpu.memory_space<semaphore_mem>> -> memref<1x!tpu.dma_semaphore, #tpu.memory_space<semaphore_mem>>
        %dma_wait3A_383 = tpu.memref_squeeze %dma_wait3A_382 : memref<1x!tpu.dma_semaphore, #tpu.memory_space<semaphore_mem>> -> memref<!tpu.dma_semaphore, #tpu.memory_space<semaphore_mem>>
        %dma_wait3A_384 = arith.constant 0 : i32
        %dma_wait3A_385 = tpu.memref_slice %arg4[%mul3A_2, %dma_wait3A_384] : memref<204800x128xf32, #tpu.memory_space<hbm>> -> memref<128x128xf32, #tpu.memory_space<hbm>>
        %dma_wait3A_386 = arith.constant 0 : i32
        %dma_wait3A_387 = arith.constant 0 : i32
        %dma_wait3A_388 = tpu.memref_slice %arg6[%dma_wait3A_374, %dma_wait3A_386, %dma_wait3A_387] : memref<5x128x128xf32, #tpu.memory_space<vmem>> -> memref<1x128x128xf32, #tpu.memory_space<vmem>>
        %dma_wait3A_389 = tpu.memref_squeeze %dma_wait3A_388 : memref<1x128x128xf32, #tpu.memory_space<vmem>> -> memref<128x128xf32, #tpu.memory_space<vmem>>
        tpu.wait_dma2 semaphore(%dma_wait3A_383 : memref<!tpu.dma_semaphore, #tpu.memory_space<semaphore_mem>>) src(%dma_wait3A_389 : memref<128x128xf32, #tpu.memory_space<vmem>>) dst(%dma_wait3A_385 : memref<128x128xf32, #tpu.memory_space<hbm>>)
        %add3A_390 = arith.constant 4 : i32
        %add3A_391 = arith.addi %add3A_206, %add3A_390 : i32
        %dma_start3A_392 = arith.constant 0 : i32
        %dma_start3A_393 = arith.constant 0 : i32
        %dma_start3A_394 = arith.constant 0 : i32
        %dma_start3A_395 = arith.constant 0 : i32
        %dma_start3A_396 = tpu.memref_slice %arg6[%dma_start3A_392, %dma_start3A_394, %dma_start3A_395] : memref<5x128x128xf32, #tpu.memory_space<vmem>> -> memref<1x128x128xf32, #tpu.memory_space<vmem>>
        %dma_start3A_397 = tpu.memref_squeeze %dma_start3A_396 : memref<1x128x128xf32, #tpu.memory_space<vmem>> -> memref<128x128xf32, #tpu.memory_space<vmem>>
        %dma_start3A_398 = arith.constant 0 : i32
        %dma_start3A_399 = tpu.memref_slice %arg5[%add3A_391, %dma_start3A_398] : memref<50x128xi32, #tpu.memory_space<vmem>> -> memref<1x128xi32, #tpu.memory_space<vmem>>
        %dma_start3A_400 = tpu.memref_squeeze %dma_start3A_399 : memref<1x128xi32, #tpu.memory_space<vmem>> -> memref<128xi32, #tpu.memory_space<vmem>>
        %dma_start3A_401 = arith.constant 0 : i32
        %dma_start3A_402 = arith.constant 0 : i32
        %dma_start3A_403 = tpu.memref_slice %arg3[%dma_start3A_401, %dma_start3A_402] : memref<100000x128xf32, #tpu.memory_space<hbm>> -> memref<100000x128xf32, #tpu.memory_space<hbm>>
        %dma_start3A_404 = tpu.memref_slice %arg7[%dma_start3A_393] : memref<5x!tpu.dma_semaphore, #tpu.memory_space<semaphore_mem>> -> memref<1x!tpu.dma_semaphore, #tpu.memory_space<semaphore_mem>>
        %dma_start3A_405 = tpu.memref_squeeze %dma_start3A_404 : memref<1x!tpu.dma_semaphore, #tpu.memory_space<semaphore_mem>> -> memref<!tpu.dma_semaphore, #tpu.memory_space<semaphore_mem>>
        tpu.enqueue_indirect_dma source(%dma_start3A_403 : memref<100000x128xf32, #tpu.memory_space<hbm>>) target(%dma_start3A_397 : memref<128x128xf32, #tpu.memory_space<vmem>>) offsets(%dma_start3A_400 : memref<128xi32, #tpu.memory_space<vmem>>) semaphore(%dma_start3A_405 : memref<!tpu.dma_semaphore, #tpu.memory_space<semaphore_mem>>)
      } else {
      }
      %dma_wait3A_211 = arith.constant 0 : i32
      %dma_wait3A_212 = arith.constant 1 : i32
      %dma_wait3A_213 = arith.constant 1 : i32
      %dma_wait3A_214 = arith.constant 0 : i32
      %dma_wait3A_215 = arith.constant 0 : i32
      %dma_wait3A_216 = tpu.memref_slice %arg6[%dma_wait3A_212, %dma_wait3A_214, %dma_wait3A_215] : memref<5x128x128xf32, #tpu.memory_space<vmem>> -> memref<1x128x128xf32, #tpu.memory_space<vmem>>
      %dma_wait3A_217 = tpu.memref_squeeze %dma_wait3A_216 : memref<1x128x128xf32, #tpu.memory_space<vmem>> -> memref<128x128xf32, #tpu.memory_space<vmem>>
      %dma_wait3A_218 = arith.constant 0 : i32
      %dma_wait3A_219 = tpu.memref_slice %arg5[%dma_wait3A_211, %dma_wait3A_218] : memref<50x128xi32, #tpu.memory_space<vmem>> -> memref<1x128xi32, #tpu.memory_space<vmem>>
      %dma_wait3A_220 = tpu.memref_squeeze %dma_wait3A_219 : memref<1x128xi32, #tpu.memory_space<vmem>> -> memref<128xi32, #tpu.memory_space<vmem>>
      %dma_wait3A_221 = arith.constant 0 : i32
      %dma_wait3A_222 = arith.constant 0 : i32
      %dma_wait3A_223 = tpu.memref_slice %arg3[%dma_wait3A_221, %dma_wait3A_222] : memref<100000x128xf32, #tpu.memory_space<hbm>> -> memref<100000x128xf32, #tpu.memory_space<hbm>>
      %dma_wait3A_224 = tpu.memref_slice %arg7[%dma_wait3A_213] : memref<5x!tpu.dma_semaphore, #tpu.memory_space<semaphore_mem>> -> memref<1x!tpu.dma_semaphore, #tpu.memory_space<semaphore_mem>>
      %dma_wait3A_225 = tpu.memref_squeeze %dma_wait3A_224 : memref<1x!tpu.dma_semaphore, #tpu.memory_space<semaphore_mem>> -> memref<!tpu.dma_semaphore, #tpu.memory_space<semaphore_mem>>
      tpu.wait_indirect_dma semaphore(%dma_wait3A_225 : memref<!tpu.dma_semaphore, #tpu.memory_space<semaphore_mem>>) src(%dma_wait3A_223 : memref<100000x128xf32, #tpu.memory_space<hbm>>) dst(%dma_wait3A_217 : memref<128x128xf32, #tpu.memory_space<vmem>>)
      %mul3A_226 = arith.constant 4096 : i32
      %mul3A_227 = arith.muli %add3A_206, %mul3A_226 : i32
      %add3A_228 = arith.addi %mul3A_227, %mul3A_2 : i32
      %dma_start3A_229 = arith.constant 1 : i32
      %dma_start3A_230 = arith.constant 1 : i32
      %dma_start3A_231 = arith.constant 0 : i32
      %dma_start3A_232 = arith.constant 0 : i32
      %dma_start3A_233 = tpu.memref_slice %arg6[%dma_start3A_229, %dma_start3A_231, %dma_start3A_232] : memref<5x128x128xf32, #tpu.memory_space<vmem>> -> memref<1x128x128xf32, #tpu.memory_space<vmem>>
      %dma_start3A_234 = tpu.memref_squeeze %dma_start3A_233 : memref<1x128x128xf32, #tpu.memory_space<vmem>> -> memref<128x128xf32, #tpu.memory_space<vmem>>
      %dma_start3A_235 = arith.constant 0 : i32
      %dma_start3A_236 = tpu.memref_slice %arg4[%add3A_228, %dma_start3A_235] : memref<204800x128xf32, #tpu.memory_space<hbm>> -> memref<128x128xf32, #tpu.memory_space<hbm>>
      %dma_start3A_237 = tpu.memref_slice %arg8[%dma_start3A_230] : memref<5x!tpu.dma_semaphore, #tpu.memory_space<semaphore_mem>> -> memref<1x!tpu.dma_semaphore, #tpu.memory_space<semaphore_mem>>
      %dma_start3A_238 = tpu.memref_squeeze %dma_start3A_237 : memref<1x!tpu.dma_semaphore, #tpu.memory_space<semaphore_mem>> -> memref<!tpu.dma_semaphore, #tpu.memory_space<semaphore_mem>>
      %dma_start3A_239 = arith.constant 0 : i32
      %dma_start3A_240 = tpu.memref_slice %arg4[%add3A_228, %dma_start3A_239] : memref<204800x128xf32, #tpu.memory_space<hbm>> -> memref<128x128xf32, #tpu.memory_space<hbm>>
      %dma_start3A_241 = arith.constant 0 : i32
      %dma_start3A_242 = arith.constant 0 : i32
      %dma_start3A_243 = tpu.memref_slice %arg6[%dma_start3A_229, %dma_start3A_241, %dma_start3A_242] : memref<5x128x128xf32, #tpu.memory_space<vmem>> -> memref<1x128x128xf32, #tpu.memory_space<vmem>>
      %dma_start3A_244 = tpu.memref_squeeze %dma_start3A_243 : memref<1x128x128xf32, #tpu.memory_space<vmem>> -> memref<128x128xf32, #tpu.memory_space<vmem>>
      tpu.enqueue_dma source(%dma_start3A_244 : memref<128x128xf32, #tpu.memory_space<vmem>>) target(%dma_start3A_240 : memref<128x128xf32, #tpu.memory_space<hbm>>) target_semaphore(%dma_start3A_238 : memref<!tpu.dma_semaphore, #tpu.memory_space<semaphore_mem>>)
      %mul3A_245 = arith.constant 5 : i32
      %mul3A_246 = arith.muli %scan3A_146, %mul3A_245 : i32
      %add3A_247 = arith.constant 2 : i32
      %add3A_248 = arith.addi %mul3A_246, %add3A_247 : i32
      %lt3A_249 = arith.constant 9 : i32
      %lt3A_250 = arith.cmpi slt, %scan3A_146, %lt3A_249 : i32
      %convert_element_type3A_251 = arith.extui %lt3A_250 : i1 to i32
      %cond3A_252 = arith.constant 0 : i32
      %cond3A_253 = arith.cmpi ne, %convert_element_type3A_251, %cond3A_252 : i32
      scf.if %cond3A_253 {
        %dma_wait3A_374 = arith.constant 1 : i32
        %dma_wait3A_375 = arith.constant 1 : i32
        %dma_wait3A_376 = arith.constant 0 : i32
        %dma_wait3A_377 = arith.constant 0 : i32
        %dma_wait3A_378 = tpu.memref_slice %arg6[%dma_wait3A_374, %dma_wait3A_376, %dma_wait3A_377] : memref<5x128x128xf32, #tpu.memory_space<vmem>> -> memref<1x128x128xf32, #tpu.memory_space<vmem>>
        %dma_wait3A_379 = tpu.memref_squeeze %dma_wait3A_378 : memref<1x128x128xf32, #tpu.memory_space<vmem>> -> memref<128x128xf32, #tpu.memory_space<vmem>>
        %dma_wait3A_380 = arith.constant 0 : i32
        %dma_wait3A_381 = tpu.memref_slice %arg4[%mul3A_2, %dma_wait3A_380] : memref<204800x128xf32, #tpu.memory_space<hbm>> -> memref<128x128xf32, #tpu.memory_space<hbm>>
        %dma_wait3A_382 = tpu.memref_slice %arg8[%dma_wait3A_375] : memref<5x!tpu.dma_semaphore, #tpu.memory_space<semaphore_mem>> -> memref<1x!tpu.dma_semaphore, #tpu.memory_space<semaphore_mem>>
        %dma_wait3A_383 = tpu.memref_squeeze %dma_wait3A_382 : memref<1x!tpu.dma_semaphore, #tpu.memory_space<semaphore_mem>> -> memref<!tpu.dma_semaphore, #tpu.memory_space<semaphore_mem>>
        %dma_wait3A_384 = arith.constant 0 : i32
        %dma_wait3A_385 = tpu.memref_slice %arg4[%mul3A_2, %dma_wait3A_384] : memref<204800x128xf32, #tpu.memory_space<hbm>> -> memref<128x128xf32, #tpu.memory_space<hbm>>
        %dma_wait3A_386 = arith.constant 0 : i32
        %dma_wait3A_387 = arith.constant 0 : i32
        %dma_wait3A_388 = tpu.memref_slice %arg6[%dma_wait3A_374, %dma_wait3A_386, %dma_wait3A_387] : memref<5x128x128xf32, #tpu.memory_space<vmem>> -> memref<1x128x128xf32, #tpu.memory_space<vmem>>
        %dma_wait3A_389 = tpu.memref_squeeze %dma_wait3A_388 : memref<1x128x128xf32, #tpu.memory_space<vmem>> -> memref<128x128xf32, #tpu.memory_space<vmem>>
        tpu.wait_dma2 semaphore(%dma_wait3A_383 : memref<!tpu.dma_semaphore, #tpu.memory_space<semaphore_mem>>) src(%dma_wait3A_389 : memref<128x128xf32, #tpu.memory_space<vmem>>) dst(%dma_wait3A_385 : memref<128x128xf32, #tpu.memory_space<hbm>>)
        %add3A_390 = arith.constant 4 : i32
        %add3A_391 = arith.addi %add3A_248, %add3A_390 : i32
        %dma_start3A_392 = arith.constant 1 : i32
        %dma_start3A_393 = arith.constant 1 : i32
        %dma_start3A_394 = arith.constant 0 : i32
        %dma_start3A_395 = arith.constant 0 : i32
        %dma_start3A_396 = tpu.memref_slice %arg6[%dma_start3A_392, %dma_start3A_394, %dma_start3A_395] : memref<5x128x128xf32, #tpu.memory_space<vmem>> -> memref<1x128x128xf32, #tpu.memory_space<vmem>>
        %dma_start3A_397 = tpu.memref_squeeze %dma_start3A_396 : memref<1x128x128xf32, #tpu.memory_space<vmem>> -> memref<128x128xf32, #tpu.memory_space<vmem>>
        %dma_start3A_398 = arith.constant 0 : i32
        %dma_start3A_399 = tpu.memref_slice %arg5[%add3A_391, %dma_start3A_398] : memref<50x128xi32, #tpu.memory_space<vmem>> -> memref<1x128xi32, #tpu.memory_space<vmem>>
        %dma_start3A_400 = tpu.memref_squeeze %dma_start3A_399 : memref<1x128xi32, #tpu.memory_space<vmem>> -> memref<128xi32, #tpu.memory_space<vmem>>
        %dma_start3A_401 = arith.constant 0 : i32
        %dma_start3A_402 = arith.constant 0 : i32
        %dma_start3A_403 = tpu.memref_slice %arg3[%dma_start3A_401, %dma_start3A_402] : memref<100000x128xf32, #tpu.memory_space<hbm>> -> memref<100000x128xf32, #tpu.memory_space<hbm>>
        %dma_start3A_404 = tpu.memref_slice %arg7[%dma_start3A_393] : memref<5x!tpu.dma_semaphore, #tpu.memory_space<semaphore_mem>> -> memref<1x!tpu.dma_semaphore, #tpu.memory_space<semaphore_mem>>
        %dma_start3A_405 = tpu.memref_squeeze %dma_start3A_404 : memref<1x!tpu.dma_semaphore, #tpu.memory_space<semaphore_mem>> -> memref<!tpu.dma_semaphore, #tpu.memory_space<semaphore_mem>>
        tpu.enqueue_indirect_dma source(%dma_start3A_403 : memref<100000x128xf32, #tpu.memory_space<hbm>>) target(%dma_start3A_397 : memref<128x128xf32, #tpu.memory_space<vmem>>) offsets(%dma_start3A_400 : memref<128xi32, #tpu.memory_space<vmem>>) semaphore(%dma_start3A_405 : memref<!tpu.dma_semaphore, #tpu.memory_space<semaphore_mem>>)
      } else {
      }
      %dma_wait3A_254 = arith.constant 0 : i32
      %dma_wait3A_255 = arith.constant 2 : i32
      %dma_wait3A_256 = arith.constant 2 : i32
      %dma_wait3A_257 = arith.constant 0 : i32
      %dma_wait3A_258 = arith.constant 0 : i32
      %dma_wait3A_259 = tpu.memref_slice %arg6[%dma_wait3A_255, %dma_wait3A_257, %dma_wait3A_258] : memref<5x128x128xf32, #tpu.memory_space<vmem>> -> memref<1x128x128xf32, #tpu.memory_space<vmem>>
      %dma_wait3A_260 = tpu.memref_squeeze %dma_wait3A_259 : memref<1x128x128xf32, #tpu.memory_space<vmem>> -> memref<128x128xf32, #tpu.memory_space<vmem>>
      %dma_wait3A_261 = arith.constant 0 : i32
      %dma_wait3A_262 = tpu.memref_slice %arg5[%dma_wait3A_254, %dma_wait3A_261] : memref<50x128xi32, #tpu.memory_space<vmem>> -> memref<1x128xi32, #tpu.memory_space<vmem>>
      %dma_wait3A_263 = tpu.memref_squeeze %dma_wait3A_262 : memref<1x128xi32, #tpu.memory_space<vmem>> -> memref<128xi32, #tpu.memory_space<vmem>>
      %dma_wait3A_264 = arith.constant 0 : i32
      %dma_wait3A_265 = arith.constant 0 : i32
      %dma_wait3A_266 = tpu.memref_slice %arg3[%dma_wait3A_264, %dma_wait3A_265] : memref<100000x128xf32, #tpu.memory_space<hbm>> -> memref<100000x128xf32, #tpu.memory_space<hbm>>
      %dma_wait3A_267 = tpu.memref_slice %arg7[%dma_wait3A_256] : memref<5x!tpu.dma_semaphore, #tpu.memory_space<semaphore_mem>> -> memref<1x!tpu.dma_semaphore, #tpu.memory_space<semaphore_mem>>
      %dma_wait3A_268 = tpu.memref_squeeze %dma_wait3A_267 : memref<1x!tpu.dma_semaphore, #tpu.memory_space<semaphore_mem>> -> memref<!tpu.dma_semaphore, #tpu.memory_space<semaphore_mem>>
      tpu.wait_indirect_dma semaphore(%dma_wait3A_268 : memref<!tpu.dma_semaphore, #tpu.memory_space<semaphore_mem>>) src(%dma_wait3A_266 : memref<100000x128xf32, #tpu.memory_space<hbm>>) dst(%dma_wait3A_260 : memref<128x128xf32, #tpu.memory_space<vmem>>)
      %mul3A_269 = arith.constant 4096 : i32
      %mul3A_270 = arith.muli %add3A_248, %mul3A_269 : i32
      %add3A_271 = arith.addi %mul3A_270, %mul3A_2 : i32
      %dma_start3A_272 = arith.constant 2 : i32
      %dma_start3A_273 = arith.constant 2 : i32
      %dma_start3A_274 = arith.constant 0 : i32
      %dma_start3A_275 = arith.constant 0 : i32
      %dma_start3A_276 = tpu.memref_slice %arg6[%dma_start3A_272, %dma_start3A_274, %dma_start3A_275] : memref<5x128x128xf32, #tpu.memory_space<vmem>> -> memref<1x128x128xf32, #tpu.memory_space<vmem>>
      %dma_start3A_277 = tpu.memref_squeeze %dma_start3A_276 : memref<1x128x128xf32, #tpu.memory_space<vmem>> -> memref<128x128xf32, #tpu.memory_space<vmem>>
      %dma_start3A_278 = arith.constant 0 : i32
      %dma_start3A_279 = tpu.memref_slice %arg4[%add3A_271, %dma_start3A_278] : memref<204800x128xf32, #tpu.memory_space<hbm>> -> memref<128x128xf32, #tpu.memory_space<hbm>>
      %dma_start3A_280 = tpu.memref_slice %arg8[%dma_start3A_273] : memref<5x!tpu.dma_semaphore, #tpu.memory_space<semaphore_mem>> -> memref<1x!tpu.dma_semaphore, #tpu.memory_space<semaphore_mem>>
      %dma_start3A_281 = tpu.memref_squeeze %dma_start3A_280 : memref<1x!tpu.dma_semaphore, #tpu.memory_space<semaphore_mem>> -> memref<!tpu.dma_semaphore, #tpu.memory_space<semaphore_mem>>
      %dma_start3A_282 = arith.constant 0 : i32
      %dma_start3A_283 = tpu.memref_slice %arg4[%add3A_271, %dma_start3A_282] : memref<204800x128xf32, #tpu.memory_space<hbm>> -> memref<128x128xf32, #tpu.memory_space<hbm>>
      %dma_start3A_284 = arith.constant 0 : i32
      %dma_start3A_285 = arith.constant 0 : i32
      %dma_start3A_286 = tpu.memref_slice %arg6[%dma_start3A_272, %dma_start3A_284, %dma_start3A_285] : memref<5x128x128xf32, #tpu.memory_space<vmem>> -> memref<1x128x128xf32, #tpu.memory_space<vmem>>
      %dma_start3A_287 = tpu.memref_squeeze %dma_start3A_286 : memref<1x128x128xf32, #tpu.memory_space<vmem>> -> memref<128x128xf32, #tpu.memory_space<vmem>>
      tpu.enqueue_dma source(%dma_start3A_287 : memref<128x128xf32, #tpu.memory_space<vmem>>) target(%dma_start3A_283 : memref<128x128xf32, #tpu.memory_space<hbm>>) target_semaphore(%dma_start3A_281 : memref<!tpu.dma_semaphore, #tpu.memory_space<semaphore_mem>>)
      %mul3A_288 = arith.constant 5 : i32
      %mul3A_289 = arith.muli %scan3A_146, %mul3A_288 : i32
      %add3A_290 = arith.constant 3 : i32
      %add3A_291 = arith.addi %mul3A_289, %add3A_290 : i32
      %lt3A_292 = arith.constant 9 : i32
      %lt3A_293 = arith.cmpi slt, %scan3A_146, %lt3A_292 : i32
      %convert_element_type3A_294 = arith.extui %lt3A_293 : i1 to i32
      %cond3A_295 = arith.constant 0 : i32
      %cond3A_296 = arith.cmpi ne, %convert_element_type3A_294, %cond3A_295 : i32
      scf.if %cond3A_296 {
        %dma_wait3A_374 = arith.constant 2 : i32
        %dma_wait3A_375 = arith.constant 2 : i32
        %dma_wait3A_376 = arith.constant 0 : i32
        %dma_wait3A_377 = arith.constant 0 : i32
        %dma_wait3A_378 = tpu.memref_slice %arg6[%dma_wait3A_374, %dma_wait3A_376, %dma_wait3A_377] : memref<5x128x128xf32, #tpu.memory_space<vmem>> -> memref<1x128x128xf32, #tpu.memory_space<vmem>>
        %dma_wait3A_379 = tpu.memref_squeeze %dma_wait3A_378 : memref<1x128x128xf32, #tpu.memory_space<vmem>> -> memref<128x128xf32, #tpu.memory_space<vmem>>
        %dma_wait3A_380 = arith.constant 0 : i32
        %dma_wait3A_381 = tpu.memref_slice %arg4[%mul3A_2, %dma_wait3A_380] : memref<204800x128xf32, #tpu.memory_space<hbm>> -> memref<128x128xf32, #tpu.memory_space<hbm>>
        %dma_wait3A_382 = tpu.memref_slice %arg8[%dma_wait3A_375] : memref<5x!tpu.dma_semaphore, #tpu.memory_space<semaphore_mem>> -> memref<1x!tpu.dma_semaphore, #tpu.memory_space<semaphore_mem>>
        %dma_wait3A_383 = tpu.memref_squeeze %dma_wait3A_382 : memref<1x!tpu.dma_semaphore, #tpu.memory_space<semaphore_mem>> -> memref<!tpu.dma_semaphore, #tpu.memory_space<semaphore_mem>>
        %dma_wait3A_384 = arith.constant 0 : i32
        %dma_wait3A_385 = tpu.memref_slice %arg4[%mul3A_2, %dma_wait3A_384] : memref<204800x128xf32, #tpu.memory_space<hbm>> -> memref<128x128xf32, #tpu.memory_space<hbm>>
        %dma_wait3A_386 = arith.constant 0 : i32
        %dma_wait3A_387 = arith.constant 0 : i32
        %dma_wait3A_388 = tpu.memref_slice %arg6[%dma_wait3A_374, %dma_wait3A_386, %dma_wait3A_387] : memref<5x128x128xf32, #tpu.memory_space<vmem>> -> memref<1x128x128xf32, #tpu.memory_space<vmem>>
        %dma_wait3A_389 = tpu.memref_squeeze %dma_wait3A_388 : memref<1x128x128xf32, #tpu.memory_space<vmem>> -> memref<128x128xf32, #tpu.memory_space<vmem>>
        tpu.wait_dma2 semaphore(%dma_wait3A_383 : memref<!tpu.dma_semaphore, #tpu.memory_space<semaphore_mem>>) src(%dma_wait3A_389 : memref<128x128xf32, #tpu.memory_space<vmem>>) dst(%dma_wait3A_385 : memref<128x128xf32, #tpu.memory_space<hbm>>)
        %add3A_390 = arith.constant 4 : i32
        %add3A_391 = arith.addi %add3A_291, %add3A_390 : i32
        %dma_start3A_392 = arith.constant 2 : i32
        %dma_start3A_393 = arith.constant 2 : i32
        %dma_start3A_394 = arith.constant 0 : i32
        %dma_start3A_395 = arith.constant 0 : i32
        %dma_start3A_396 = tpu.memref_slice %arg6[%dma_start3A_392, %dma_start3A_394, %dma_start3A_395] : memref<5x128x128xf32, #tpu.memory_space<vmem>> -> memref<1x128x128xf32, #tpu.memory_space<vmem>>
        %dma_start3A_397 = tpu.memref_squeeze %dma_start3A_396 : memref<1x128x128xf32, #tpu.memory_space<vmem>> -> memref<128x128xf32, #tpu.memory_space<vmem>>
        %dma_start3A_398 = arith.constant 0 : i32
        %dma_start3A_399 = tpu.memref_slice %arg5[%add3A_391, %dma_start3A_398] : memref<50x128xi32, #tpu.memory_space<vmem>> -> memref<1x128xi32, #tpu.memory_space<vmem>>
        %dma_start3A_400 = tpu.memref_squeeze %dma_start3A_399 : memref<1x128xi32, #tpu.memory_space<vmem>> -> memref<128xi32, #tpu.memory_space<vmem>>
        %dma_start3A_401 = arith.constant 0 : i32
        %dma_start3A_402 = arith.constant 0 : i32
        %dma_start3A_403 = tpu.memref_slice %arg3[%dma_start3A_401, %dma_start3A_402] : memref<100000x128xf32, #tpu.memory_space<hbm>> -> memref<100000x128xf32, #tpu.memory_space<hbm>>
        %dma_start3A_404 = tpu.memref_slice %arg7[%dma_start3A_393] : memref<5x!tpu.dma_semaphore, #tpu.memory_space<semaphore_mem>> -> memref<1x!tpu.dma_semaphore, #tpu.memory_space<semaphore_mem>>
        %dma_start3A_405 = tpu.memref_squeeze %dma_start3A_404 : memref<1x!tpu.dma_semaphore, #tpu.memory_space<semaphore_mem>> -> memref<!tpu.dma_semaphore, #tpu.memory_space<semaphore_mem>>
        tpu.enqueue_indirect_dma source(%dma_start3A_403 : memref<100000x128xf32, #tpu.memory_space<hbm>>) target(%dma_start3A_397 : memref<128x128xf32, #tpu.memory_space<vmem>>) offsets(%dma_start3A_400 : memref<128xi32, #tpu.memory_space<vmem>>) semaphore(%dma_start3A_405 : memref<!tpu.dma_semaphore, #tpu.memory_space<semaphore_mem>>)
      } else {
      }
      %dma_wait3A_297 = arith.constant 0 : i32
      %dma_wait3A_298 = arith.constant 3 : i32
      %dma_wait3A_299 = arith.constant 3 : i32
      %dma_wait3A_300 = arith.constant 0 : i32
      %dma_wait3A_301 = arith.constant 0 : i32
      %dma_wait3A_302 = tpu.memref_slice %arg6[%dma_wait3A_298, %dma_wait3A_300, %dma_wait3A_301] : memref<5x128x128xf32, #tpu.memory_space<vmem>> -> memref<1x128x128xf32, #tpu.memory_space<vmem>>
      %dma_wait3A_303 = tpu.memref_squeeze %dma_wait3A_302 : memref<1x128x128xf32, #tpu.memory_space<vmem>> -> memref<128x128xf32, #tpu.memory_space<vmem>>
      %dma_wait3A_304 = arith.constant 0 : i32
      %dma_wait3A_305 = tpu.memref_slice %arg5[%dma_wait3A_297, %dma_wait3A_304] : memref<50x128xi32, #tpu.memory_space<vmem>> -> memref<1x128xi32, #tpu.memory_space<vmem>>
      %dma_wait3A_306 = tpu.memref_squeeze %dma_wait3A_305 : memref<1x128xi32, #tpu.memory_space<vmem>> -> memref<128xi32, #tpu.memory_space<vmem>>
      %dma_wait3A_307 = arith.constant 0 : i32
      %dma_wait3A_308 = arith.constant 0 : i32
      %dma_wait3A_309 = tpu.memref_slice %arg3[%dma_wait3A_307, %dma_wait3A_308] : memref<100000x128xf32, #tpu.memory_space<hbm>> -> memref<100000x128xf32, #tpu.memory_space<hbm>>
      %dma_wait3A_310 = tpu.memref_slice %arg7[%dma_wait3A_299] : memref<5x!tpu.dma_semaphore, #tpu.memory_space<semaphore_mem>> -> memref<1x!tpu.dma_semaphore, #tpu.memory_space<semaphore_mem>>
      %dma_wait3A_311 = tpu.memref_squeeze %dma_wait3A_310 : memref<1x!tpu.dma_semaphore, #tpu.memory_space<semaphore_mem>> -> memref<!tpu.dma_semaphore, #tpu.memory_space<semaphore_mem>>
      tpu.wait_indirect_dma semaphore(%dma_wait3A_311 : memref<!tpu.dma_semaphore, #tpu.memory_space<semaphore_mem>>) src(%dma_wait3A_309 : memref<100000x128xf32, #tpu.memory_space<hbm>>) dst(%dma_wait3A_303 : memref<128x128xf32, #tpu.memory_space<vmem>>)
      %mul3A_312 = arith.constant 4096 : i32
      %mul3A_313 = arith.muli %add3A_291, %mul3A_312 : i32
      %add3A_314 = arith.addi %mul3A_313, %mul3A_2 : i32
      %dma_start3A_315 = arith.constant 3 : i32
      %dma_start3A_316 = arith.constant 3 : i32
      %dma_start3A_317 = arith.constant 0 : i32
      %dma_start3A_318 = arith.constant 0 : i32
      %dma_start3A_319 = tpu.memref_slice %arg6[%dma_start3A_315, %dma_start3A_317, %dma_start3A_318] : memref<5x128x128xf32, #tpu.memory_space<vmem>> -> memref<1x128x128xf32, #tpu.memory_space<vmem>>
      %dma_start3A_320 = tpu.memref_squeeze %dma_start3A_319 : memref<1x128x128xf32, #tpu.memory_space<vmem>> -> memref<128x128xf32, #tpu.memory_space<vmem>>
      %dma_start3A_321 = arith.constant 0 : i32
      %dma_start3A_322 = tpu.memref_slice %arg4[%add3A_314, %dma_start3A_321] : memref<204800x128xf32, #tpu.memory_space<hbm>> -> memref<128x128xf32, #tpu.memory_space<hbm>>
      %dma_start3A_323 = tpu.memref_slice %arg8[%dma_start3A_316] : memref<5x!tpu.dma_semaphore, #tpu.memory_space<semaphore_mem>> -> memref<1x!tpu.dma_semaphore, #tpu.memory_space<semaphore_mem>>
      %dma_start3A_324 = tpu.memref_squeeze %dma_start3A_323 : memref<1x!tpu.dma_semaphore, #tpu.memory_space<semaphore_mem>> -> memref<!tpu.dma_semaphore, #tpu.memory_space<semaphore_mem>>
      %dma_start3A_325 = arith.constant 0 : i32
      %dma_start3A_326 = tpu.memref_slice %arg4[%add3A_314, %dma_start3A_325] : memref<204800x128xf32, #tpu.memory_space<hbm>> -> memref<128x128xf32, #tpu.memory_space<hbm>>
      %dma_start3A_327 = arith.constant 0 : i32
      %dma_start3A_328 = arith.constant 0 : i32
      %dma_start3A_329 = tpu.memref_slice %arg6[%dma_start3A_315, %dma_start3A_327, %dma_start3A_328] : memref<5x128x128xf32, #tpu.memory_space<vmem>> -> memref<1x128x128xf32, #tpu.memory_space<vmem>>
      %dma_start3A_330 = tpu.memref_squeeze %dma_start3A_329 : memref<1x128x128xf32, #tpu.memory_space<vmem>> -> memref<128x128xf32, #tpu.memory_space<vmem>>
      tpu.enqueue_dma source(%dma_start3A_330 : memref<128x128xf32, #tpu.memory_space<vmem>>) target(%dma_start3A_326 : memref<128x128xf32, #tpu.memory_space<hbm>>) target_semaphore(%dma_start3A_324 : memref<!tpu.dma_semaphore, #tpu.memory_space<semaphore_mem>>)
      %mul3A_331 = arith.constant 5 : i32
      %mul3A_332 = arith.muli %scan3A_146, %mul3A_331 : i32
      %add3A_333 = arith.constant 4 : i32
      %add3A_334 = arith.addi %mul3A_332, %add3A_333 : i32
      %lt3A_335 = arith.constant 9 : i32
      %lt3A_336 = arith.cmpi slt, %scan3A_146, %lt3A_335 : i32
      %convert_element_type3A_337 = arith.extui %lt3A_336 : i1 to i32
      %cond3A_338 = arith.constant 0 : i32
      %cond3A_339 = arith.cmpi ne, %convert_element_type3A_337, %cond3A_338 : i32
      scf.if %cond3A_339 {
        %dma_wait3A_374 = arith.constant 3 : i32
        %dma_wait3A_375 = arith.constant 3 : i32
        %dma_wait3A_376 = arith.constant 0 : i32
        %dma_wait3A_377 = arith.constant 0 : i32
        %dma_wait3A_378 = tpu.memref_slice %arg6[%dma_wait3A_374, %dma_wait3A_376, %dma_wait3A_377] : memref<5x128x128xf32, #tpu.memory_space<vmem>> -> memref<1x128x128xf32, #tpu.memory_space<vmem>>
        %dma_wait3A_379 = tpu.memref_squeeze %dma_wait3A_378 : memref<1x128x128xf32, #tpu.memory_space<vmem>> -> memref<128x128xf32, #tpu.memory_space<vmem>>
        %dma_wait3A_380 = arith.constant 0 : i32
        %dma_wait3A_381 = tpu.memref_slice %arg4[%mul3A_2, %dma_wait3A_380] : memref<204800x128xf32, #tpu.memory_space<hbm>> -> memref<128x128xf32, #tpu.memory_space<hbm>>
        %dma_wait3A_382 = tpu.memref_slice %arg8[%dma_wait3A_375] : memref<5x!tpu.dma_semaphore, #tpu.memory_space<semaphore_mem>> -> memref<1x!tpu.dma_semaphore, #tpu.memory_space<semaphore_mem>>
        %dma_wait3A_383 = tpu.memref_squeeze %dma_wait3A_382 : memref<1x!tpu.dma_semaphore, #tpu.memory_space<semaphore_mem>> -> memref<!tpu.dma_semaphore, #tpu.memory_space<semaphore_mem>>
        %dma_wait3A_384 = arith.constant 0 : i32
        %dma_wait3A_385 = tpu.memref_slice %arg4[%mul3A_2, %dma_wait3A_384] : memref<204800x128xf32, #tpu.memory_space<hbm>> -> memref<128x128xf32, #tpu.memory_space<hbm>>
        %dma_wait3A_386 = arith.constant 0 : i32
        %dma_wait3A_387 = arith.constant 0 : i32
        %dma_wait3A_388 = tpu.memref_slice %arg6[%dma_wait3A_374, %dma_wait3A_386, %dma_wait3A_387] : memref<5x128x128xf32, #tpu.memory_space<vmem>> -> memref<1x128x128xf32, #tpu.memory_space<vmem>>
        %dma_wait3A_389 = tpu.memref_squeeze %dma_wait3A_388 : memref<1x128x128xf32, #tpu.memory_space<vmem>> -> memref<128x128xf32, #tpu.memory_space<vmem>>
        tpu.wait_dma2 semaphore(%dma_wait3A_383 : memref<!tpu.dma_semaphore, #tpu.memory_space<semaphore_mem>>) src(%dma_wait3A_389 : memref<128x128xf32, #tpu.memory_space<vmem>>) dst(%dma_wait3A_385 : memref<128x128xf32, #tpu.memory_space<hbm>>)
        %add3A_390 = arith.constant 4 : i32
        %add3A_391 = arith.addi %add3A_334, %add3A_390 : i32
        %dma_start3A_392 = arith.constant 3 : i32
        %dma_start3A_393 = arith.constant 3 : i32
        %dma_start3A_394 = arith.constant 0 : i32
        %dma_start3A_395 = arith.constant 0 : i32
        %dma_start3A_396 = tpu.memref_slice %arg6[%dma_start3A_392, %dma_start3A_394, %dma_start3A_395] : memref<5x128x128xf32, #tpu.memory_space<vmem>> -> memref<1x128x128xf32, #tpu.memory_space<vmem>>
        %dma_start3A_397 = tpu.memref_squeeze %dma_start3A_396 : memref<1x128x128xf32, #tpu.memory_space<vmem>> -> memref<128x128xf32, #tpu.memory_space<vmem>>
        %dma_start3A_398 = arith.constant 0 : i32
        %dma_start3A_399 = tpu.memref_slice %arg5[%add3A_391, %dma_start3A_398] : memref<50x128xi32, #tpu.memory_space<vmem>> -> memref<1x128xi32, #tpu.memory_space<vmem>>
        %dma_start3A_400 = tpu.memref_squeeze %dma_start3A_399 : memref<1x128xi32, #tpu.memory_space<vmem>> -> memref<128xi32, #tpu.memory_space<vmem>>
        %dma_start3A_401 = arith.constant 0 : i32
        %dma_start3A_402 = arith.constant 0 : i32
        %dma_start3A_403 = tpu.memref_slice %arg3[%dma_start3A_401, %dma_start3A_402] : memref<100000x128xf32, #tpu.memory_space<hbm>> -> memref<100000x128xf32, #tpu.memory_space<hbm>>
        %dma_start3A_404 = tpu.memref_slice %arg7[%dma_start3A_393] : memref<5x!tpu.dma_semaphore, #tpu.memory_space<semaphore_mem>> -> memref<1x!tpu.dma_semaphore, #tpu.memory_space<semaphore_mem>>
        %dma_start3A_405 = tpu.memref_squeeze %dma_start3A_404 : memref<1x!tpu.dma_semaphore, #tpu.memory_space<semaphore_mem>> -> memref<!tpu.dma_semaphore, #tpu.memory_space<semaphore_mem>>
        tpu.enqueue_indirect_dma source(%dma_start3A_403 : memref<100000x128xf32, #tpu.memory_space<hbm>>) target(%dma_start3A_397 : memref<128x128xf32, #tpu.memory_space<vmem>>) offsets(%dma_start3A_400 : memref<128xi32, #tpu.memory_space<vmem>>) semaphore(%dma_start3A_405 : memref<!tpu.dma_semaphore, #tpu.memory_space<semaphore_mem>>)
      } else {
      }
      %dma_wait3A_340 = arith.constant 0 : i32
      %dma_wait3A_341 = arith.constant 4 : i32
      %dma_wait3A_342 = arith.constant 4 : i32
      %dma_wait3A_343 = arith.constant 0 : i32
      %dma_wait3A_344 = arith.constant 0 : i32
      %dma_wait3A_345 = tpu.memref_slice %arg6[%dma_wait3A_341, %dma_wait3A_343, %dma_wait3A_344] : memref<5x128x128xf32, #tpu.memory_space<vmem>> -> memref<1x128x128xf32, #tpu.memory_space<vmem>>
      %dma_wait3A_346 = tpu.memref_squeeze %dma_wait3A_345 : memref<1x128x128xf32, #tpu.memory_space<vmem>> -> memref<128x128xf32, #tpu.memory_space<vmem>>
      %dma_wait3A_347 = arith.constant 0 : i32
      %dma_wait3A_348 = tpu.memref_slice %arg5[%dma_wait3A_340, %dma_wait3A_347] : memref<50x128xi32, #tpu.memory_space<vmem>> -> memref<1x128xi32, #tpu.memory_space<vmem>>
      %dma_wait3A_349 = tpu.memref_squeeze %dma_wait3A_348 : memref<1x128xi32, #tpu.memory_space<vmem>> -> memref<128xi32, #tpu.memory_space<vmem>>
      %dma_wait3A_350 = arith.constant 0 : i32
      %dma_wait3A_351 = arith.constant 0 : i32
      %dma_wait3A_352 = tpu.memref_slice %arg3[%dma_wait3A_350, %dma_wait3A_351] : memref<100000x128xf32, #tpu.memory_space<hbm>> -> memref<100000x128xf32, #tpu.memory_space<hbm>>
      %dma_wait3A_353 = tpu.memref_slice %arg7[%dma_wait3A_342] : memref<5x!tpu.dma_semaphore, #tpu.memory_space<semaphore_mem>> -> memref<1x!tpu.dma_semaphore, #tpu.memory_space<semaphore_mem>>
      %dma_wait3A_354 = tpu.memref_squeeze %dma_wait3A_353 : memref<1x!tpu.dma_semaphore, #tpu.memory_space<semaphore_mem>> -> memref<!tpu.dma_semaphore, #tpu.memory_space<semaphore_mem>>
      tpu.wait_indirect_dma semaphore(%dma_wait3A_354 : memref<!tpu.dma_semaphore, #tpu.memory_space<semaphore_mem>>) src(%dma_wait3A_352 : memref<100000x128xf32, #tpu.memory_space<hbm>>) dst(%dma_wait3A_346 : memref<128x128xf32, #tpu.memory_space<vmem>>)
      %mul3A_355 = arith.constant 4096 : i32
      %mul3A_356 = arith.muli %add3A_334, %mul3A_355 : i32
      %add3A_357 = arith.addi %mul3A_356, %mul3A_2 : i32
      %dma_start3A_358 = arith.constant 4 : i32
      %dma_start3A_359 = arith.constant 4 : i32
      %dma_start3A_360 = arith.constant 0 : i32
      %dma_start3A_361 = arith.constant 0 : i32
      %dma_start3A_362 = tpu.memref_slice %arg6[%dma_start3A_358, %dma_start3A_360, %dma_start3A_361] : memref<5x128x128xf32, #tpu.memory_space<vmem>> -> memref<1x128x128xf32, #tpu.memory_space<vmem>>
      %dma_start3A_363 = tpu.memref_squeeze %dma_start3A_362 : memref<1x128x128xf32, #tpu.memory_space<vmem>> -> memref<128x128xf32, #tpu.memory_space<vmem>>
      %dma_start3A_364 = arith.constant 0 : i32
      %dma_start3A_365 = tpu.memref_slice %arg4[%add3A_357, %dma_start3A_364] : memref<204800x128xf32, #tpu.memory_space<hbm>> -> memref<128x128xf32, #tpu.memory_space<hbm>>
      %dma_start3A_366 = tpu.memref_slice %arg8[%dma_start3A_359] : memref<5x!tpu.dma_semaphore, #tpu.memory_space<semaphore_mem>> -> memref<1x!tpu.dma_semaphore, #tpu.memory_space<semaphore_mem>>
      %dma_start3A_367 = tpu.memref_squeeze %dma_start3A_366 : memref<1x!tpu.dma_semaphore, #tpu.memory_space<semaphore_mem>> -> memref<!tpu.dma_semaphore, #tpu.memory_space<semaphore_mem>>
      %dma_start3A_368 = arith.constant 0 : i32
      %dma_start3A_369 = tpu.memref_slice %arg4[%add3A_357, %dma_start3A_368] : memref<204800x128xf32, #tpu.memory_space<hbm>> -> memref<128x128xf32, #tpu.memory_space<hbm>>
      %dma_start3A_370 = arith.constant 0 : i32
      %dma_start3A_371 = arith.constant 0 : i32
      %dma_start3A_372 = tpu.memref_slice %arg6[%dma_start3A_358, %dma_start3A_370, %dma_start3A_371] : memref<5x128x128xf32, #tpu.memory_space<vmem>> -> memref<1x128x128xf32, #tpu.memory_space<vmem>>
      %dma_start3A_373 = tpu.memref_squeeze %dma_start3A_372 : memref<1x128x128xf32, #tpu.memory_space<vmem>> -> memref<128x128xf32, #tpu.memory_space<vmem>>
      tpu.enqueue_dma source(%dma_start3A_373 : memref<128x128xf32, #tpu.memory_space<vmem>>) target(%dma_start3A_369 : memref<128x128xf32, #tpu.memory_space<hbm>>) target_semaphore(%dma_start3A_367 : memref<!tpu.dma_semaphore, #tpu.memory_space<semaphore_mem>>)
    }
    %scan3A_66 = arith.constant 10 : i32
    %dma_wait3A = arith.constant 0 : i32
    %dma_wait3A_67 = arith.constant 0 : i32
    %dma_wait3A_68 = arith.constant 0 : i32
    %dma_wait3A_69 = arith.constant 0 : i32
    %dma_wait3A_70 = tpu.memref_slice %arg6[%dma_wait3A, %dma_wait3A_68, %dma_wait3A_69] : memref<5x128x128xf32, #tpu.memory_space<vmem>> -> memref<1x128x128xf32, #tpu.memory_space<vmem>>
    %dma_wait3A_71 = tpu.memref_squeeze %dma_wait3A_70 : memref<1x128x128xf32, #tpu.memory_space<vmem>> -> memref<128x128xf32, #tpu.memory_space<vmem>>
    %dma_wait3A_72 = arith.constant 0 : i32
    %dma_wait3A_73 = tpu.memref_slice %arg4[%mul3A_2, %dma_wait3A_72] : memref<204800x128xf32, #tpu.memory_space<hbm>> -> memref<128x128xf32, #tpu.memory_space<hbm>>
    %dma_wait3A_74 = tpu.memref_slice %arg8[%dma_wait3A_67] : memref<5x!tpu.dma_semaphore, #tpu.memory_space<semaphore_mem>> -> memref<1x!tpu.dma_semaphore, #tpu.memory_space<semaphore_mem>>
    %dma_wait3A_75 = tpu.memref_squeeze %dma_wait3A_74 : memref<1x!tpu.dma_semaphore, #tpu.memory_space<semaphore_mem>> -> memref<!tpu.dma_semaphore, #tpu.memory_space<semaphore_mem>>
    %dma_wait3A_76 = arith.constant 0 : i32
    %dma_wait3A_77 = tpu.memref_slice %arg4[%mul3A_2, %dma_wait3A_76] : memref<204800x128xf32, #tpu.memory_space<hbm>> -> memref<128x128xf32, #tpu.memory_space<hbm>>
    %dma_wait3A_78 = arith.constant 0 : i32
    %dma_wait3A_79 = arith.constant 0 : i32
    %dma_wait3A_80 = tpu.memref_slice %arg6[%dma_wait3A, %dma_wait3A_78, %dma_wait3A_79] : memref<5x128x128xf32, #tpu.memory_space<vmem>> -> memref<1x128x128xf32, #tpu.memory_space<vmem>>
    %dma_wait3A_81 = tpu.memref_squeeze %dma_wait3A_80 : memref<1x128x128xf32, #tpu.memory_space<vmem>> -> memref<128x128xf32, #tpu.memory_space<vmem>>
    tpu.wait_dma2 semaphore(%dma_wait3A_75 : memref<!tpu.dma_semaphore, #tpu.memory_space<semaphore_mem>>) src(%dma_wait3A_81 : memref<128x128xf32, #tpu.memory_space<vmem>>) dst(%dma_wait3A_77 : memref<128x128xf32, #tpu.memory_space<hbm>>)
    %dma_wait3A_82 = arith.constant 1 : i32
    %dma_wait3A_83 = arith.constant 1 : i32
    %dma_wait3A_84 = arith.constant 0 : i32
    %dma_wait3A_85 = arith.constant 0 : i32
    %dma_wait3A_86 = tpu.memref_slice %arg6[%dma_wait3A_82, %dma_wait3A_84, %dma_wait3A_85] : memref<5x128x128xf32, #tpu.memory_space<vmem>> -> memref<1x128x128xf32, #tpu.memory_space<vmem>>
    %dma_wait3A_87 = tpu.memref_squeeze %dma_wait3A_86 : memref<1x128x128xf32, #tpu.memory_space<vmem>> -> memref<128x128xf32, #tpu.memory_space<vmem>>
    %dma_wait3A_88 = arith.constant 0 : i32
    %dma_wait3A_89 = tpu.memref_slice %arg4[%mul3A_2, %dma_wait3A_88] : memref<204800x128xf32, #tpu.memory_space<hbm>> -> memref<128x128xf32, #tpu.memory_space<hbm>>
    %dma_wait3A_90 = tpu.memref_slice %arg8[%dma_wait3A_83] : memref<5x!tpu.dma_semaphore, #tpu.memory_space<semaphore_mem>> -> memref<1x!tpu.dma_semaphore, #tpu.memory_space<semaphore_mem>>
    %dma_wait3A_91 = tpu.memref_squeeze %dma_wait3A_90 : memref<1x!tpu.dma_semaphore, #tpu.memory_space<semaphore_mem>> -> memref<!tpu.dma_semaphore, #tpu.memory_space<semaphore_mem>>
    %dma_wait3A_92 = arith.constant 0 : i32
    %dma_wait3A_93 = tpu.memref_slice %arg4[%mul3A_2, %dma_wait3A_92] : memref<204800x128xf32, #tpu.memory_space<hbm>> -> memref<128x128xf32, #tpu.memory_space<hbm>>
    %dma_wait3A_94 = arith.constant 0 : i32
    %dma_wait3A_95 = arith.constant 0 : i32
    %dma_wait3A_96 = tpu.memref_slice %arg6[%dma_wait3A_82, %dma_wait3A_94, %dma_wait3A_95] : memref<5x128x128xf32, #tpu.memory_space<vmem>> -> memref<1x128x128xf32, #tpu.memory_space<vmem>>
    %dma_wait3A_97 = tpu.memref_squeeze %dma_wait3A_96 : memref<1x128x128xf32, #tpu.memory_space<vmem>> -> memref<128x128xf32, #tpu.memory_space<vmem>>
    tpu.wait_dma2 semaphore(%dma_wait3A_91 : memref<!tpu.dma_semaphore, #tpu.memory_space<semaphore_mem>>) src(%dma_wait3A_97 : memref<128x128xf32, #tpu.memory_space<vmem>>) dst(%dma_wait3A_93 : memref<128x128xf32, #tpu.memory_space<hbm>>)
    %dma_wait3A_98 = arith.constant 2 : i32
    %dma_wait3A_99 = arith.constant 2 : i32
    %dma_wait3A_100 = arith.constant 0 : i32
    %dma_wait3A_101 = arith.constant 0 : i32
    %dma_wait3A_102 = tpu.memref_slice %arg6[%dma_wait3A_98, %dma_wait3A_100, %dma_wait3A_101] : memref<5x128x128xf32, #tpu.memory_space<vmem>> -> memref<1x128x128xf32, #tpu.memory_space<vmem>>
    %dma_wait3A_103 = tpu.memref_squeeze %dma_wait3A_102 : memref<1x128x128xf32, #tpu.memory_space<vmem>> -> memref<128x128xf32, #tpu.memory_space<vmem>>
    %dma_wait3A_104 = arith.constant 0 : i32
    %dma_wait3A_105 = tpu.memref_slice %arg4[%mul3A_2, %dma_wait3A_104] : memref<204800x128xf32, #tpu.memory_space<hbm>> -> memref<128x128xf32, #tpu.memory_space<hbm>>
    %dma_wait3A_106 = tpu.memref_slice %arg8[%dma_wait3A_99] : memref<5x!tpu.dma_semaphore, #tpu.memory_space<semaphore_mem>> -> memref<1x!tpu.dma_semaphore, #tpu.memory_space<semaphore_mem>>
    %dma_wait3A_107 = tpu.memref_squeeze %dma_wait3A_106 : memref<1x!tpu.dma_semaphore, #tpu.memory_space<semaphore_mem>> -> memref<!tpu.dma_semaphore, #tpu.memory_space<semaphore_mem>>
    %dma_wait3A_108 = arith.constant 0 : i32
    %dma_wait3A_109 = tpu.memref_slice %arg4[%mul3A_2, %dma_wait3A_108] : memref<204800x128xf32, #tpu.memory_space<hbm>> -> memref<128x128xf32, #tpu.memory_space<hbm>>
    %dma_wait3A_110 = arith.constant 0 : i32
    %dma_wait3A_111 = arith.constant 0 : i32
    %dma_wait3A_112 = tpu.memref_slice %arg6[%dma_wait3A_98, %dma_wait3A_110, %dma_wait3A_111] : memref<5x128x128xf32, #tpu.memory_space<vmem>> -> memref<1x128x128xf32, #tpu.memory_space<vmem>>
    %dma_wait3A_113 = tpu.memref_squeeze %dma_wait3A_112 : memref<1x128x128xf32, #tpu.memory_space<vmem>> -> memref<128x128xf32, #tpu.memory_space<vmem>>
    tpu.wait_dma2 semaphore(%dma_wait3A_107 : memref<!tpu.dma_semaphore, #tpu.memory_space<semaphore_mem>>) src(%dma_wait3A_113 : memref<128x128xf32, #tpu.memory_space<vmem>>) dst(%dma_wait3A_109 : memref<128x128xf32, #tpu.memory_space<hbm>>)
    %dma_wait3A_114 = arith.constant 3 : i32
    %dma_wait3A_115 = arith.constant 3 : i32
    %dma_wait3A_116 = arith.constant 0 : i32
    %dma_wait3A_117 = arith.constant 0 : i32
    %dma_wait3A_118 = tpu.memref_slice %arg6[%dma_wait3A_114, %dma_wait3A_116, %dma_wait3A_117] : memref<5x128x128xf32, #tpu.memory_space<vmem>> -> memref<1x128x128xf32, #tpu.memory_space<vmem>>
    %dma_wait3A_119 = tpu.memref_squeeze %dma_wait3A_118 : memref<1x128x128xf32, #tpu.memory_space<vmem>> -> memref<128x128xf32, #tpu.memory_space<vmem>>
    %dma_wait3A_120 = arith.constant 0 : i32
    %dma_wait3A_121 = tpu.memref_slice %arg4[%mul3A_2, %dma_wait3A_120] : memref<204800x128xf32, #tpu.memory_space<hbm>> -> memref<128x128xf32, #tpu.memory_space<hbm>>
    %dma_wait3A_122 = tpu.memref_slice %arg8[%dma_wait3A_115] : memref<5x!tpu.dma_semaphore, #tpu.memory_space<semaphore_mem>> -> memref<1x!tpu.dma_semaphore, #tpu.memory_space<semaphore_mem>>
    %dma_wait3A_123 = tpu.memref_squeeze %dma_wait3A_122 : memref<1x!tpu.dma_semaphore, #tpu.memory_space<semaphore_mem>> -> memref<!tpu.dma_semaphore, #tpu.memory_space<semaphore_mem>>
    %dma_wait3A_124 = arith.constant 0 : i32
    %dma_wait3A_125 = tpu.memref_slice %arg4[%mul3A_2, %dma_wait3A_124] : memref<204800x128xf32, #tpu.memory_space<hbm>> -> memref<128x128xf32, #tpu.memory_space<hbm>>
    %dma_wait3A_126 = arith.constant 0 : i32
    %dma_wait3A_127 = arith.constant 0 : i32
    %dma_wait3A_128 = tpu.memref_slice %arg6[%dma_wait3A_114, %dma_wait3A_126, %dma_wait3A_127] : memref<5x128x128xf32, #tpu.memory_space<vmem>> -> memref<1x128x128xf32, #tpu.memory_space<vmem>>
    %dma_wait3A_129 = tpu.memref_squeeze %dma_wait3A_128 : memref<1x128x128xf32, #tpu.memory_space<vmem>> -> memref<128x128xf32, #tpu.memory_space<vmem>>
    tpu.wait_dma2 semaphore(%dma_wait3A_123 : memref<!tpu.dma_semaphore, #tpu.memory_space<semaphore_mem>>) src(%dma_wait3A_129 : memref<128x128xf32, #tpu.memory_space<vmem>>) dst(%dma_wait3A_125 : memref<128x128xf32, #tpu.memory_space<hbm>>)
    %dma_wait3A_130 = arith.constant 4 : i32
    %dma_wait3A_131 = arith.constant 4 : i32
    %dma_wait3A_132 = arith.constant 0 : i32
    %dma_wait3A_133 = arith.constant 0 : i32
    %dma_wait3A_134 = tpu.memref_slice %arg6[%dma_wait3A_130, %dma_wait3A_132, %dma_wait3A_133] : memref<5x128x128xf32, #tpu.memory_space<vmem>> -> memref<1x128x128xf32, #tpu.memory_space<vmem>>
    %dma_wait3A_135 = tpu.memref_squeeze %dma_wait3A_134 : memref<1x128x128xf32, #tpu.memory_space<vmem>> -> memref<128x128xf32, #tpu.memory_space<vmem>>
    %dma_wait3A_136 = arith.constant 0 : i32
    %dma_wait3A_137 = tpu.memref_slice %arg4[%mul3A_2, %dma_wait3A_136] : memref<204800x128xf32, #tpu.memory_space<hbm>> -> memref<128x128xf32, #tpu.memory_space<hbm>>
    %dma_wait3A_138 = tpu.memref_slice %arg8[%dma_wait3A_131] : memref<5x!tpu.dma_semaphore, #tpu.memory_space<semaphore_mem>> -> memref<1x!tpu.dma_semaphore, #tpu.memory_space<semaphore_mem>>
    %dma_wait3A_139 = tpu.memref_squeeze %dma_wait3A_138 : memref<1x!tpu.dma_semaphore, #tpu.memory_space<semaphore_mem>> -> memref<!tpu.dma_semaphore, #tpu.memory_space<semaphore_mem>>
    %dma_wait3A_140 = arith.constant 0 : i32
    %dma_wait3A_141 = tpu.memref_slice %arg4[%mul3A_2, %dma_wait3A_140] : memref<204800x128xf32, #tpu.memory_space<hbm>> -> memref<128x128xf32, #tpu.memory_space<hbm>>
    %dma_wait3A_142 = arith.constant 0 : i32
    %dma_wait3A_143 = arith.constant 0 : i32
    %dma_wait3A_144 = tpu.memref_slice %arg6[%dma_wait3A_130, %dma_wait3A_142, %dma_wait3A_143] : memref<5x128x128xf32, #tpu.memory_space<vmem>> -> memref<1x128x128xf32, #tpu.memory_space<vmem>>
    %dma_wait3A_145 = tpu.memref_squeeze %dma_wait3A_144 : memref<1x128x128xf32, #tpu.memory_space<vmem>> -> memref<128x128xf32, #tpu.memory_space<vmem>>
    tpu.wait_dma2 semaphore(%dma_wait3A_139 : memref<!tpu.dma_semaphore, #tpu.memory_space<semaphore_mem>>) src(%dma_wait3A_145 : memref<128x128xf32, #tpu.memory_space<vmem>>) dst(%dma_wait3A_141 : memref<128x128xf32, #tpu.memory_space<hbm>>)
    return
  }
}

</mosaic_0001>

<sc_bundles>
// kernel: kernel.3.cloned.1.call-start
scs
__scs_entry_jumppad:
0x0: {  	(pc) =	sbr.rel $0x88, $3  }
0x1: {  	(tag) =	ssettag $0x0;
	lr =	simm.s32 $0x1  }
0x2: {  	[smem:$0x3F9F] =	sst lr;
	_ =	strace $0xD0000000  }
0x3: {  	_ = 	snop  }
0x4: {  	_ = 	snop  }
0x5: {  	_ = 	snop  }
0x6: {  	_ = 	snop  }
0x7: {  	_ = 	snop  }
__scs_overlays_trampoline_lowered:
0x8: {  	[smem:$0x3FAE] =	sst s0  }
0x9: {  	[smem:$0x3FAF] =	sst s1  }
0xa: {  	[smem:$0x3FB0] =	sst s2  }
0xb: {  	[smem:$0x3FB1] =	sst s3  }
0xc: {  	[smem:$0x3FB2] =	sst s4  }
0xd: {  	[smem:$0x3FB3] =	sst s5  }
0xe: {  	[smem:$0x3FB4] =	sst s6  }
0xf: {  	[smem:$0x3FB5] =	sst s7  }
0x10: {  	[smem:$0x3FB6] =	sst s8  }
0x11: {  	[smem:$0x3FB7] =	sst s9;
	s0 =	simm.s32 @!p0 $0x0  }
0x12: {  	s1 =	sld [smem:$0x3F9D];
	s0 =	simm.s32 @p0 $0x1  }
0x13: {  	[smem:$0x3FB8] =	sst s0;
	s0 =	simm.s32 @!p1 $0x0  }
0x14: {  	s2 =	sld [smem:$0x3F9C];
	s0 =	simm.s32 @p1 $0x1  }
0x15: {  	[smem:$0x3FB9] =	sst s0;
	s0 =	simm.s32 @!p2 $0x0  }
0x16: {  	s3 =	sld [smem:$0x3FDB];
	s0 =	simm.s32 @p2 $0x1  }
0x17: {  	s4 =	simm.s32 $0x1BF5;
	[smem:$0x3FBB] =	sst s0  }
0x18: {  	s0 =	sld [smem:$0x3F9E];
	_ =	swait.ge [sflag:s4], $0x0  }
0x19: {  	s7 =	sld [smem:$0x3F9F]  }
0x1a: {  	s8 =	sadd.s32 $0xFFFFE003, lr  }
0x1b: {  	s9 =	sadd.s32 $0xFFFFFEF7, lr;
	s5 =	simm.s32 $0xFFFFFFFF;
	p2 =	slt.u32 s8, $0xFFFFF086  }
0x1c: {  	p1 =	slt.u32 s9, $0xF7A;
	s5 =	simm.s32 @!p2 $0x0  }
0x1d: {  	s5 =	simm.s32 @p1 $0x1;
	p0 =	seq.s32 s7, s2  }
0x1e: {  	s7 =	smul.u32 @!p0 $0xF7A, s2;
	p2 =	seq.s32 @!p0 s5, $0x0  }
0x1f: {  	s9 =	smul.u32 $0xF7A, s1;
	s8 =	simm.s32 @!p0 $0x1BF5;
	p2 =	por !p2, p0  }
0x20: {  	[sflag:s8] =	ssyncset.s32 @!p0 $0xFFFFF086;
	s6 =	sadd.s32 @!p0 s3, s7;
	s7 =	simm.s32 @!p0 $0x108  }
0x21: {  	s3 =	sadd.s32 s3, s9;
	s6 =	sadd.s32 @!p0 $0x88, s6;
	s7 =	simm.s32 @p2 $0x1082  }
0x22: {  	[simem:s7], [sflag:s8] =	dma.local @!p0 [hbm:s6], $0xF7A  }
0x23: {  	s9 =	sor.u32 $0xD0000000, s2;
	s6 =	simm.s32 $0x108;
	_ =	swait.ge @!p0 [sflag:s8], $0x0  }
0x24: {  	s3 =	sadd.s32 $0x88, s3;
	s6 =	simm.s32 @!p1 $0x1082;
	[sflag:s4] =	ssyncset.s32 $0xFFFFF086  }
0x25: {  	[simem:s6], [sflag:s4] =	dma.local [hbm:s3], $0xF7A  }
0x26: {  	[smem:$0x3F9F] =	sst s1;
	(tag) =	ssettag s2;
	_ =	strace s9  }
0x27: {  	s1 =	sld [smem:$0x3FAF]  }
0x28: {  	s2 =	sld [smem:$0x3FB0]  }
0x29: {  	s4 =	sld [smem:$0x3FB2]  }
0x2a: {  	p0 =	seq.s32 s5, $0x0;
	s5 =	sld [smem:$0x3FB3]  }
0x2b: {  	s6 =	sld [smem:$0x3FB4]  }
0x2c: {  	s7 =	sld [smem:$0x3FB5]  }
0x2d: {  	s3 =	simm.s32 $0x108;
	s8 =	sld [smem:$0x3FB6]  }
0x2e: {  	s3 =	simm.s32 @!p0 $0x1082;
	s9 =	sld [smem:$0x3FB7]  }
0x2f: {  	lr =	sadd.s32 s0, s3;
	s0 =	sld [smem:$0x3FAE]  }
0x30: {  	s3 =	sld [smem:$0x3FB1]  }
0x31: {  	[smem:$0x3FBA] =	sst s10  }
0x32: {  	s10 =	sld [smem:$0x3FB8];
	_ =	sdelay $0x3  }
0x33: {  	p0 =	seq.s32 s10, $0x1;
	s10 =	sld [smem:$0x3FBA];
	_ =	sdelay $0x3  }
0x34: {  	[smem:$0x3FBA] =	sst s10  }
0x35: {  	s10 =	sld [smem:$0x3FB9];
	_ =	sdelay $0x3  }
0x36: {  	p1 =	seq.s32 s10, $0x1;
	s10 =	sld [smem:$0x3FBA];
	_ =	sdelay $0x3  }
0x37: {  	[smem:$0x3FBA] =	sst s10  }
0x38: {  	s10 =	sld [smem:$0x3FBB]  }
0x39: {  	_ = 	snop;
	(pc) =	sbr.ind lr, $3  }
0x3a: {  	_ = 	snop  }
0x3b: {  	_ = 	snop  }
0x3c: {  	p2 =	seq.s32 s10, $0x1;
	s10 =	sld [smem:$0x3FBA]  }
0x3d: {  	_ =	shalt  }
0x3e: {  	_ =	shalt  }
0x3f: {  	_ =	shalt  }
0x40: {  	_ =	shalt  }
0x41: {  	_ =	shalt  }
0x42: {  	_ =	shalt  }
0x43: {  	_ =	shalt  }
0x44: {  	_ =	shalt  }
0x45: {  	_ =	shalt  }
0x46: {  	_ =	shalt  }
0x47: {  	_ =	shalt  }
0x48: {  	_ =	shalt  }
0x49: {  	_ =	shalt  }
0x4a: {  	_ =	shalt  }
0x4b: {  	_ =	shalt  }
0x4c: {  	_ =	shalt  }
0x4d: {  	_ =	shalt  }
0x4e: {  	_ =	shalt  }
0x4f: {  	_ =	shalt  }
0x50: {  	_ =	shalt  }
0x51: {  	_ =	shalt  }
0x52: {  	_ =	shalt  }
0x53: {  	_ =	shalt  }
0x54: {  	_ =	shalt  }
0x55: {  	_ =	shalt  }
0x56: {  	_ =	shalt  }
0x57: {  	_ =	shalt  }
0x58: {  	_ =	shalt  }
0x59: {  	_ =	shalt  }
0x5a: {  	_ =	shalt  }
0x5b: {  	_ =	shalt  }
0x5c: {  	_ =	shalt  }
0x5d: {  	_ =	shalt  }
0x5e: {  	_ =	shalt  }
0x5f: {  	_ =	shalt  }
0x60: {  	_ =	shalt  }
0x61: {  	_ =	shalt  }
0x62: {  	_ =	shalt  }
0x63: {  	_ =	shalt  }
0x64: {  	_ =	shalt  }
0x65: {  	_ =	shalt  }
0x66: {  	_ =	shalt  }
0x67: {  	_ =	shalt  }
0x68: {  	_ =	shalt  }
0x69: {  	_ =	shalt  }
0x6a: {  	_ =	shalt  }
0x6b: {  	_ =	shalt  }
0x6c: {  	_ =	shalt  }
0x6d: {  	_ =	shalt  }
0x6e: {  	_ =	shalt  }
0x6f: {  	_ =	shalt  }
0x70: {  	_ =	shalt  }
0x71: {  	_ =	shalt  }
0x72: {  	_ =	shalt  }
0x73: {  	_ =	shalt  }
0x74: {  	_ =	shalt  }
0x75: {  	_ =	shalt  }
0x76: {  	_ =	shalt  }
0x77: {  	_ =	shalt  }
0x78: {  	_ =	shalt  }
0x79: {  	_ =	shalt  }
0x7a: {  	_ =	shalt  }
0x7b: {  	_ =	shalt  }
0x7c: {  	_ =	shalt  }
0x7d: {  	_ =	shalt  }
0x7e: {  	_ =	shalt  }
0x7f: {  	_ =	shalt  }
0x80: {  	_ =	shalt  }
0x81: {  	_ =	shalt  }
0x82: {  	_ =	shalt  }
0x83: {  	_ =	shalt  }
0x84: {  	_ =	shalt  }
0x85: {  	_ =	shalt  }
0x86: {  	_ =	shalt  }
0x87: {  	_ =	shalt  }
.Lfunc_end0:
.L_simem_size_0:
called_computation_lowered:
.L_overlay_start_0:
0x88: {  	s2 =	sld [smem:$0x3FD9]  }
0x89: {  	s3 =	sld [smem:$0x3FFE];
	_ =	sdelay $0x1  }
0x8a: {  	s1 =	srdreg.scid  }
0x8b: {  	s0 =	sand.u32 $0x1, s1  }
0x8c: {  	s17 =	sshll.u32 s0, $0xA;
	s2 =	sadd.s32 s3, s2  }
0x8d: {  	s2 =	sadd.s32 s2, s17  }
0x8e: {  	[smem:$0x3FC6] =	sst s2  }
0x8f: {  	_ = 	snop  }
0x90: {  	s2 =	sld [smem:$0x3FC8]  }
0x91: {  	s18 =	sld [smem:$0x3FD0];
	(tm) =	ssettm $0x1  }
0x92: {  	s4 =	sld [smem:$0x3FFB];
	_ =	sdelay $0x3  }
0x93: {  	_ =	strace s4  }
0x94: {  	s4 =	sld [smem:$0x3FFC];
	_ =	sdelay $0x3  }
0x95: {  	_ =	strace s4  }
0x96: {  	s4 =	sld [smem:$0x3FFD];
	_ =	sdelay $0x3  }
0x97: {  	_ =	strace s4  }
0x98: {  	_ =	strace $0x8FFFFFFF  }
0x99: {  	s19 =	sld [smem:$0x3FDB];
	_ =	sdelay $0x1  }
0x9a: {  	s5 =	simm.s32 $_scs_section_size  }
0x9b: {  	s6 =	simm.s32 $_size__tile_overlayer_lowered;
	s7 =	simm.s32 $_tile_overlayer_lowered  }
0x9c: {  	s22 =	simm.s32 $0x1BFF;
	s21 =	sshll.u32 s7, $0x1;
	s4 =	sadd.s32 s5, s19  }
0x9d: {  	s8 =	simm.s32 $0x0;
	s20 =	sshll.u32 s6, $0x1;
	s6 =	sadd.s32 s21, s4  }
0x9e: {  	[timem:s8], [sflag:s22] =	dma.local [hbm:s6], s20  }
0x9f: {  	_ =	swait.ge [sflag:s22], s20  }
0xa0: {  	s5 =	ssub.s32 $0x0, s20;
	[sflag:s22] =	ssyncset.done $0x0  }
0xa1: {  	[sflag:s22] =	ssyncadd.s32 s5;
	_ =	sdelay $0x1  }
0xa2: {  	s23 =	simm.s32 $0x1B8B  }
0xa3: {  	_ =	swait.ge [sflag:s23], $0x1  }
0xa4: {  	[sflag:s23] =	ssyncset.done $0x0  }
0xa5: {  	s25 =	simm.s32 $0x1B8E;
	s24 =	sld [smem:$0x3FFE];
	[sflag:s23] =	ssyncadd.s32 $0xFFFFFFFF  }
0xa6: {  	s26 =	simm.s32 $execute0_lowered;
	[smem:$0x3FD2] =	sst s25  }
0xa7: {  	s6 =	sshll.u32 s26, $0x1;
	_ =	strace $0x80000046;
	[dreg:$0x1] =	wrdreg $0xFFFFFFFF  }
0xa8: {  	s28 =	simm.s32 $_size_execute0_lowered;
	s4 =	sadd.s32 s4, s6;
	[dreg:$0x0] =	wrdreg $0x0  }
0xa9: {  	s6 =	sshll.u32 s28, $0x1;
	[dreg:$0x2] =	wrdreg s4  }
0xaa: {  	[dreg:$0x3] =	wrdreg s6  }
0xab: {  	[dreg:$0x4] =	wrdreg $0xC0  }
0xac: {  	_ =	task [dreg:s8], $0x5FFFF  }
0xad: {  	[dreg:$0x1] =	wrdreg $0xFFFFFFFF  }
0xae: {  	[dreg:$0x0] =	wrdreg $0x60  }
0xaf: {  	[dreg:$0x2] =	wrdreg s24  }
0xb0: {  	[dreg:$0x3] =	wrdreg s2  }
0xb1: {  	[dreg:$0x4] =	wrdreg s18  }
0xb2: {  	[dreg:$0x5] =	wrdreg $0x9  }
0xb3: {  	_ =	task.clear_ibuf [dreg:s8], $0x6FFFF;
	_ =	strace $0x90000046  }
0xb4: {  	s29 =	simm.s32 $0x9;
	_ =	strace $0x80000048  }
0xb5: {  	_ =	swait.ge [sflag:s29], $0x1  }
0xb6: {  	[sflag:s29] =	ssyncadd.s32 $0xFFFFFFFF  }
0xb7: {  	_ =	strace $0x90000048  }
0xb8: {  	_ =	sfence  }
0xb9: {  	s30 =	sld [smem:$0x0];
	_ =	sdelay $0x2  }
0xba: {  	s31 =	sshll.u32 s1, $0xD;
	s1 =	sshrl.u32 s1, $0x2  }
0xbb: {  	s3 =	sand.u32 $0x4000, s31;
	s1 =	sadd.s32 s1, s30  }
0xbc: {  	s0 =	sor.u32 s3, s0;
	s1 =	sshll.u32 s1, $0x11  }
0xbd: {  	s0 =	sor.u32 s1, s0  }
0xbe: {  	s0 =	sadd.s32 $0x8F2B, s0  }
0xbf: {  	[sflag:s0] =	ssyncadd.remote.s32 $0x1  }
0xc0: {  	_ =	sfence.sel $0xFFFF  }
0xc1: {  	[dreg:$0x0] =	wrdreg $0xFFFFFFFF;
	(pc) =	sbr.abs _section_cstart, $3  }
0xc2: {  	[dreg:$0x1] =	wrdreg $0xFFFFFFFF  }
0xc3: {  	_ =	task.clear_ibuf [dreg:s8], $0x2FFFF;
	_ =	strace $0x9FFFFFFF  }
0xc4: {  	(tm) =	ssettm $0x7FFFFFFF  }
0xc5: {  	_ =	shalt  }
tec
execute0_lowered:
.L_overlay_start_1:
0x0: {  	(tag) =	ssettag $0x1  }
0x1: {  	s0 =	rddreg [dreg:$0x0]  }
0x2: {  	s2 =	rddreg [dreg:$0x1]  }
0x3: {  	s1 =	rddreg [dreg:$0x2]  }
0x4: {  	s4 =	srdreg.scid;
	s10 =	stileid.u32;
	s3 =	simm.s32 $0x0  }
0x5: {  	s12 =	simm.s32 $0x9C00;
	s15 =	simm.s32 $0x11C00;
	s16 =	simm.s32 $0x1  }
0x6: {  	s17 =	simm.s32 $0x3;
	s18 =	simm.s32 $0x5;
	s20 =	simm.s32 $0x7  }
0x7: {  	s21 =	simm.s32 $0x8;
	s22 =	simm.s32 $0x9;
	s23 =	simm.s32 $0xA  }
0x8: {  	s5 =	sand.u32 $0x1, s4;
	s24 =	sshll.u32 s10, $0x1;
	[smem:$0x7FF] =	sst s3  }
0x9: {  	s28 =	sshll.u32 s10, $0xC;
	s4 =	sor.u32 s5, s24;
	s7 =	ssub.s32 $0x2, s5  }
0xa: {  	_ =	strace $0x80000047;
	s6 =	smul.u32 $0x380, s4;
	s4 =	sshll.u32 s4, $0xB  }
0xb: {  	s30 =	sshll.u32 s5, $0xB;
	s8 =	sshrl.u32 s7, $0x1;
	s9 =	sadd.s32 s4, s1  }
0xc: {  	s24 =	simm.s32 $0x0;
	s25 =	ssub.s32 s7, s8;
	s26 =	sadd.s32 $0x2E0000, s9  }
0xd: {  	s0 =	sadd.s32 s6, s0;
	s31 =	smax.u32 s25, $0x1;
	[dreg:$0x4] =	wrdreg s26  }
0xe: {  	s8 =	simm.s32 $0x80;
	s0 =	sadd.s32 $0x400, s0;
	[dreg:$0x7] =	wrdreg s31  }
0xf: {  	s29 =	sadd.s32 $0x300000, s9;
	[dreg:$0x6] =	wrdreg s0;
	s0 =	sadd.s32 s28, s1  }
0x10: {  	s9 =	simm.s32 $0x1C00;
	[dreg:$0x5] =	wrdreg s29;
	s6 =	sadd.s32 s30, s0  }
.LBB2_1:
0x11: {  	s0 =	rddreg [dreg:$0x6];
	s11 =	simm.s32 $0xB  }
0x12: {  	[tilespmem:s3], [sflag:$0xB] =	stream.linear.gather [hbm4b:s0+s3], $0x1900, $0x38;
	[tilespmem:$0x15C00] =	vst v63  }
0x13: {  	_ =	swait.ge [sflag:s11], $0x1900  }
0x14: {  	[sflag:s11] =	ssyncset.done $0x0  }
0x15: {  	[sflag:s11] =	ssyncadd.s32 $0xFFFFE700  }
0x16: {  	[tilespmem:s9], [sflag:$0x1] =	stream.indirect.gather [hbm4b:s2+s8], $0x80, s3, s8, $0xb8;
	[tilespmem:$0x15C00] =	vst v63  }
0x17: {  	s13 =	simm.s32 $0x5C00  }
0x18: {  	[tilespmem:s13], [sflag:$0x2] =	stream.indirect.gather [hbm4b:s2+s8], $0x80, s8, s8, $0xb8;
	[tilespmem:$0x15C00] =	vst v63  }
0x19: {  	s14 =	simm.s32 $0x100;
	p0 =	por $0x1, $0x1  }
0x1a: {  	[tilespmem:s12], [sflag:$0x3] =	stream.indirect.gather [hbm4b:s2+s8], $0x80, s14, s8, $0xb8;
	[tilespmem:$0x15C00] =	vst v63  }
0x1b: {  	s19 =	simm.s32 $0x180;
	s1 =	simm.s32 $0xDC00;
	s0 =	simm.s32 @!p0 $0xA  }
0x1c: {  	[tilespmem:s1], [sflag:$0x4] =	stream.indirect.gather [hbm4b:s2+s8], $0x80, s19, s8, $0xb8;
	[tilespmem:$0x15C00] =	vst v63  }
0x1d: {  	_ =	swait.ge @!p0 [sflag:s0], $0x4000  }
0x1e: {  	[sflag:s0] =	ssyncset.done @!p0 $0x0  }
0x1f: {  	s25 =	simm.s32 $0x200;
	[sflag:s0] =	ssyncadd.s32 @!p0 $0xFFFFC000  }
0x20: {  	[tilespmem:s15], [sflag:$0x5] =	stream.indirect.gather [hbm4b:s2+s8], $0x80, s25, s8, $0xb8;
	[tilespmem:$0x15C00] =	vst v63  }
0x21: {  	_ =	swait.ge [sflag:s16], $0x4000  }
0x22: {  	p0 =	por $0x0, $0x0;
	[sflag:s16] =	ssyncset.done $0x0  }
0x23: {  	s0 =	simm.s32 @p0 $0x2;
	[sflag:s16] =	ssyncadd.s32 $0xFFFFC000  }
0x24: {  	[hbm4b:s6+s3] =	stream.linear.scatter [tilespmem:s9], [sflag:$0x6], $0x4000, $0x38;
	[tilespmem:$0x15C00] =	vst v63  }
0x25: {  	_ =	swait.ge @p0 [sflag:s0], $0x4000  }
0x26: {  	s10 =	simm.s32 @p0 $0x5C00;
	s25 =	simm.s32 @!p0 $0x6;
	[sflag:s0] =	ssyncset.done @p0 $0x0  }
0x27: {  	s1 =	rddreg [dreg:$0x4];
	[sflag:s0] =	ssyncadd.s32 @p0 $0xFFFFC000;
	s0 =	simm.s32 @p0 $0x0  }
0x28: {  	[hbm4b:s1+s0] =	stream.linear.scatter @p0 [tilespmem:s10], [sflag:$0x7], $0x4000, $0x38;
	[tilespmem:$0x15C00] =	vst v63  }
0x29: {  	_ =	swait.ge @!p0 [sflag:s25], $0x4000  }
0x2a: {  	s26 =	simm.s32 @!p0 $0x1C00;
	s1 =	simm.s32 @!p0 $0x280;
	[sflag:s25] =	ssyncset.done @!p0 $0x0  }
0x2b: {  	s10 =	simm.s32 @!p0 $0x80;
	[sflag:s25] =	ssyncadd.s32 @!p0 $0xFFFFC000;
	s25 =	simm.s32 @!p0 $0x2  }
0x2c: {  	[tilespmem:s26], [sflag:$0x1] =	stream.indirect.gather @!p0 [hbm4b:s2+s10], $0x80, s1, s10, $0xb8;
	[tilespmem:$0x15C00] =	vst v63  }
0x2d: {  	_ =	swait.ge @!p0 [sflag:s25], $0x4000  }
0x2e: {  	s28 =	simm.s32 @!p0 $0x0;
	s1 =	simm.s32 @!p0 $0x5C00;
	[sflag:s25] =	ssyncset.done @!p0 $0x0  }
0x2f: {  	s26 =	sadd.s32 @!p0 $0x10000, s6;
	[sflag:s25] =	ssyncadd.s32 @!p0 $0xFFFFC000;
	s25 =	simm.s32 @!p0 $0x7  }
0x30: {  	[hbm4b:s26+s28] =	stream.linear.scatter @!p0 [tilespmem:s1], [sflag:$0x7], $0x4000, $0x38;
	[tilespmem:$0x15C00] =	vst v63  }
0x31: {  	_ =	swait.ge @!p0 [sflag:s25], $0x4000  }
0x32: {  	[sflag:s25] =	ssyncset.done @!p0 $0x0  }
0x33: {  	s26 =	simm.s32 @!p0 $0x300;
	[sflag:s25] =	ssyncadd.s32 @!p0 $0xFFFFC000  }
0x34: {  	[tilespmem:s1], [sflag:$0x2] =	stream.indirect.gather @!p0 [hbm4b:s2+s10], $0x80, s26, s10, $0xb8;
	[tilespmem:$0x15C00] =	vst v63  }
0x35: {  	_ =	swait.ge [sflag:s17], $0x4000  }
0x36: {  	[sflag:s17] =	ssyncset.done $0x0  }
0x37: {  	s25 =	simm.s32 @p0 $0x4;
	s26 =	sadd.s32 $0x20000, s6;
	[sflag:s17] =	ssyncadd.s32 $0xFFFFC000  }
0x38: {  	[hbm4b:s26+s3] =	stream.linear.scatter [tilespmem:s12], [sflag:$0x8], $0x4000, $0x38;
	[tilespmem:$0x15C00] =	vst v63  }
0x39: {  	_ =	swait.ge @p0 [sflag:s25], $0x4000  }
0x3a: {  	s26 =	simm.s32 @!p0 $0x8;
	[sflag:s25] =	ssyncset.done @p0 $0x0  }
0x3b: {  	s1 =	rddreg [dreg:$0x5];
	[sflag:s25] =	ssyncadd.s32 @p0 $0xFFFFC000;
	s25 =	simm.s32 @p0 $0xDC00  }
0x3c: {  	[hbm4b:s1+s0] =	stream.linear.scatter @p0 [tilespmem:s25], [sflag:$0x9], $0x4000, $0x38;
	[tilespmem:$0x15C00] =	vst v63  }
0x3d: {  	_ =	swait.ge @!p0 [sflag:s26], $0x4000  }
0x3e: {  	s0 =	simm.s32 @!p0 $0x380;
	[sflag:s26] =	ssyncset.done @!p0 $0x0  }
0x3f: {  	s1 =	simm.s32 @!p0 $0x9C00;
	s25 =	simm.s32 @!p0 $0x4;
	[sflag:s26] =	ssyncadd.s32 @!p0 $0xFFFFC000  }
0x40: {  	[tilespmem:s1], [sflag:$0x3] =	stream.indirect.gather @!p0 [hbm4b:s2+s10], $0x80, s0, s10, $0xb8;
	[tilespmem:$0x15C00] =	vst v63  }
0x41: {  	_ =	swait.ge @!p0 [sflag:s25], $0x4000  }
0x42: {  	s0 =	sadd.s32 @!p0 $0x30000, s6;
	[sflag:s25] =	ssyncset.done @!p0 $0x0  }
0x43: {  	s1 =	simm.s32 @!p0 $0xDC00;
	[sflag:s25] =	ssyncadd.s32 @!p0 $0xFFFFC000;
	s25 =	simm.s32 @!p0 $0x9  }
0x44: {  	[hbm4b:s0+s28] =	stream.linear.scatter @!p0 [tilespmem:s1], [sflag:$0x9], $0x4000, $0x38;
	[tilespmem:$0x15C00] =	vst v63  }
0x45: {  	s29 =	sadd.s32 $0x40000, s6;
	s30 =	simm.s32 $0x1400;
	_ =	swait.ge @!p0 [sflag:s25], $0x4000  }
0x46: {  	p1 =	por $0x0, $0x0;
	s26 =	sadd.s32 $0x50000, s6;
	[sflag:s25] =	ssyncset.done @!p0 $0x0  }
0x47: {  	s31 =	sadd.s32 $0x50000, s26;
	s0 =	simm.s32 @!p0 $0x400;
	[sflag:s25] =	ssyncadd.s32 @!p0 $0xFFFFC000  }
0x48: {  	[tilespmem:s1], [sflag:$0x4] =	stream.indirect.gather @!p0 [hbm4b:s2+s10], $0x80, s0, s10, $0xb8;
	[tilespmem:$0x15C00] =	vst v63  }
0x49: {  	s28 =	simm.s32 $0xA00;
	s25 =	sadd.s32 $0x40000, s26;
	_ =	swait.ge [sflag:s18], $0x4000  }
.LBB2_2:
0x4a: {  	[sflag:s18] =	ssyncset.done $0x0  }
0x4b: {  	s0 =	simm.s32 @!p1 $0xA;
	[sflag:s18] =	ssyncadd.s32 $0xFFFFC000  }
0x4c: {  	[hbm4b:s29+s3] =	stream.linear.scatter [tilespmem:s15], [sflag:$0xA], $0x4000, $0x38;
	[tilespmem:$0x15C00] =	vst v63  }
0x4d: {  	_ =	swait.ge @!p1 [sflag:s0], $0x4000  }
0x4e: {  	s11 =	sshra.s32 s28, $0x2;
	[sflag:s0] =	ssyncset.done @!p1 $0x0  }
0x4f: {  	s11 =	sadd.s32 $0x200, s11;
	[sflag:s0] =	ssyncadd.s32 @!p1 $0xFFFFC000  }
0x50: {  	[tilespmem:s15], [sflag:$0x5] =	stream.indirect.gather [hbm4b:s2+s8], $0x80, s11, s8, $0xb8;
	[tilespmem:$0x15C00] =	vst v63  }
0x51: {  	s1 =	smov.u32 s30;
	_ =	swait.ge [sflag:s16], $0x4000  }
0x52: {  	s10 =	sadd.s32 $0x40000, s31;
	p1 =	seq.s32 s28, $0x5A00;
	[sflag:s16] =	ssyncset.done $0x0  }
0x53: {  	s29 =	smov.u32 s25;
	s0 =	simm.s32 @p1 $0x2;
	[sflag:s16] =	ssyncadd.s32 $0xFFFFC000  }
0x54: {  	[hbm4b:s26+s3] =	stream.linear.scatter [tilespmem:s9], [sflag:$0x6], $0x4000, $0x38;
	[tilespmem:$0x15C00] =	vst v63  }
0x55: {  	s25 =	smov.u32 s10;
	s11 =	sshra.s32 @!p1 s28, $0x2;
	_ =	swait.ge @p1 [sflag:s0], $0x4000  }
0x56: {  	s5 =	simm.s32 @p1 $0x0;
	s7 =	simm.s32 @p1 $0x5C00;
	[sflag:s0] =	ssyncset.done @p1 $0x0  }
0x57: {  	s19 =	simm.s32 @!p1 $0x6;
	s4 =	rddreg [dreg:$0x4];
	[sflag:s0] =	ssyncadd.s32 @p1 $0xFFFFC000  }
0x58: {  	[hbm4b:s4+s5] =	stream.linear.scatter @p1 [tilespmem:s7], [sflag:$0x7], $0x4000, $0x38;
	[tilespmem:$0x15C00] =	vst v63  }
0x59: {  	s28 =	smov.u32 s1;
	s1 =	simm.s32 @!p1 $0x80;
	_ =	swait.ge @!p1 [sflag:s19], $0x4000  }
0x5a: {  	s13 =	sadd.s32 @!p1 $0x280, s11;
	s14 =	sadd.s32 @!p1 $0x300, s11;
	[sflag:s19] =	ssyncset.done @!p1 $0x0  }
0x5b: {  	s4 =	simm.s32 @!p1 $0x1C00;
	s7 =	simm.s32 @!p1 $0x2;
	[sflag:s19] =	ssyncadd.s32 @!p1 $0xFFFFC000  }
0x5c: {  	[tilespmem:s4], [sflag:$0x1] =	stream.indirect.gather @!p1 [hbm4b:s2+s1], $0x80, s13, s1, $0xb8;
	[tilespmem:$0x15C00] =	vst v63  }
0x5d: {  	s10 =	sadd.s32 @!p1 $0x380, s11;
	s0 =	sadd.s32 @!p1 $0x400, s11;
	_ =	swait.ge @!p1 [sflag:s7], $0x4000  }
0x5e: {  	s11 =	sadd.s32 @!p1 $0x10000, s26;
	s4 =	simm.s32 @!p1 $0x5C00;
	[sflag:s7] =	ssyncset.done @!p1 $0x0  }
0x5f: {  	s13 =	simm.s32 @!p1 $0x0;
	[sflag:s7] =	ssyncadd.s32 @!p1 $0xFFFFC000;
	s7 =	simm.s32 @!p1 $0x7  }
0x60: {  	[hbm4b:s11+s13] =	stream.linear.scatter @!p1 [tilespmem:s4], [sflag:$0x7], $0x4000, $0x38;
	[tilespmem:$0x15C00] =	vst v63  }
0x61: {  	_ =	swait.ge @!p1 [sflag:s7], $0x4000  }
0x62: {  	[sflag:s7] =	ssyncset.done @!p1 $0x0  }
0x63: {  	[sflag:s7] =	ssyncadd.s32 @!p1 $0xFFFFC000  }
0x64: {  	[tilespmem:s4], [sflag:$0x2] =	stream.indirect.gather @!p1 [hbm4b:s2+s1], $0x80, s14, s1, $0xb8;
	[tilespmem:$0x15C00] =	vst v63  }
0x65: {  	_ =	swait.ge [sflag:s17], $0x4000  }
0x66: {  	[sflag:s17] =	ssyncset.done $0x0  }
0x67: {  	s19 =	sadd.s32 $0x20000, s26;
	s7 =	simm.s32 @p1 $0x4;
	[sflag:s17] =	ssyncadd.s32 $0xFFFFC000  }
0x68: {  	[hbm4b:s19+s3] =	stream.linear.scatter [tilespmem:s12], [sflag:$0x8], $0x4000, $0x38;
	[tilespmem:$0x15C00] =	vst v63  }
0x69: {  	_ =	swait.ge @p1 [sflag:s7], $0x4000  }
0x6a: {  	s11 =	simm.s32 @!p1 $0x8;
	[sflag:s7] =	ssyncset.done @p1 $0x0  }
0x6b: {  	s4 =	rddreg [dreg:$0x5];
	[sflag:s7] =	ssyncadd.s32 @p1 $0xFFFFC000;
	s7 =	simm.s32 @p1 $0xDC00  }
0x6c: {  	[hbm4b:s4+s5] =	stream.linear.scatter @p1 [tilespmem:s7], [sflag:$0x9], $0x4000, $0x38;
	[tilespmem:$0x15C00] =	vst v63  }
0x6d: {  	_ =	swait.ge @!p1 [sflag:s11], $0x4000  }
0x6e: {  	[sflag:s11] =	ssyncset.done @!p1 $0x0  }
0x6f: {  	s4 =	simm.s32 @!p1 $0x9C00;
	s5 =	simm.s32 @!p1 $0x4;
	[sflag:s11] =	ssyncadd.s32 @!p1 $0xFFFFC000  }
0x70: {  	[tilespmem:s4], [sflag:$0x3] =	stream.indirect.gather @!p1 [hbm4b:s2+s1], $0x80, s10, s1, $0xb8;
	[tilespmem:$0x15C00] =	vst v63  }
0x71: {  	s30 =	sadd.s32 $0xA00, s30;
	_ =	swait.ge @!p1 [sflag:s5], $0x4000  }
0x72: {  	p0 =	sne.s32 s30, $0x6400;
	s7 =	simm.s32 @!p1 $0xDC00;
	[sflag:s5] =	ssyncset.done @!p1 $0x0  }
0x73: {  	s4 =	sadd.s32 @!p1 $0x30000, s26;
	[sflag:s5] =	ssyncadd.s32 @!p1 $0xFFFFC000;
	s5 =	simm.s32 @!p1 $0x9  }
0x74: {  	[hbm4b:s4+s13] =	stream.linear.scatter @!p1 [tilespmem:s7], [sflag:$0x9], $0x4000, $0x38;
	[tilespmem:$0x15C00] =	vst v63  }
.Ltmp0:
0x75: {  	_ =	swait.ge @!p1 [sflag:s5], $0x4000;
	(pc) =	sbr.rel @p0 .LBB2_2-.Ltmp0, $4  }
0x76: {  	[sflag:s5] =	ssyncset.done @!p1 $0x0  }
0x77: {  	s26 =	smov.u32 s31;
	[sflag:s5] =	ssyncadd.s32 @!p1 $0xFFFFC000  }
0x78: {  	[tilespmem:s7], [sflag:$0x4] =	stream.indirect.gather @!p1 [hbm4b:s2+s1], $0x80, s0, s1, $0xb8;
	[tilespmem:$0x15C00] =	vst v63  }
0x79: {  	s31 =	sadd.s32 $0x50000, s31;
	p1 =	seq.s32 s28, $0x0;
	_ =	swait.ge [sflag:s18], $0x4000  }
0x7a: {  	[sflag:s18] =	ssyncset.done $0x0  }
0x7b: {  	s0 =	simm.s32 @!p1 $0xA;
	[sflag:s18] =	ssyncadd.s32 $0xFFFFC000  }
0x7c: {  	[hbm4b:s29+s3] =	stream.linear.scatter [tilespmem:s15], [sflag:$0xA], $0x4000, $0x38;
	[tilespmem:$0x15C00] =	vst v63  }
0x7d: {  	_ =	swait.ge @!p1 [sflag:s0], $0x4000  }
0x7e: {  	s1 =	sshra.s32 s28, $0x2;
	[sflag:s0] =	ssyncset.done @!p1 $0x0  }
0x7f: {  	s1 =	sadd.s32 $0x200, s1;
	[sflag:s0] =	ssyncadd.s32 @!p1 $0xFFFFC000  }
0x80: {  	[tilespmem:s15], [sflag:$0x5] =	stream.indirect.gather [hbm4b:s2+s8], $0x80, s1, s8, $0xb8;
	[tilespmem:$0x15C00] =	vst v63  }
0x81: {  	_ =	swait.ge [sflag:s16], $0x4000  }
0x82: {  	p0 =	seq.s32 s28, $0x5A00;
	[sflag:s16] =	ssyncset.done $0x0  }
0x83: {  	s0 =	simm.s32 @p0 $0x2;
	[sflag:s16] =	ssyncadd.s32 $0xFFFFC000  }
0x84: {  	[hbm4b:s26+s3] =	stream.linear.scatter [tilespmem:s9], [sflag:$0x6], $0x4000, $0x38;
	[tilespmem:$0x15C00] =	vst v63  }
0x85: {  	_ =	swait.ge @p0 [sflag:s0], $0x4000  }
0x86: {  	s4 =	simm.s32 @p0 $0x5C00;
	s5 =	simm.s32 @!p0 $0x6;
	[sflag:s0] =	ssyncset.done @p0 $0x0  }
0x87: {  	s1 =	rddreg [dreg:$0x4];
	[sflag:s0] =	ssyncadd.s32 @p0 $0xFFFFC000;
	s0 =	simm.s32 @p0 $0x0  }
0x88: {  	[hbm4b:s1+s0] =	stream.linear.scatter @p0 [tilespmem:s4], [sflag:$0x7], $0x4000, $0x38;
	[tilespmem:$0x15C00] =	vst v63  }
0x89: {  	s7 =	simm.s32 @!p0 $0x80;
	_ =	swait.ge @!p0 [sflag:s5], $0x4000  }
0x8a: {  	s10 =	simm.s32 @!p0 $0x1C00;
	s1 =	sshra.s32 @!p0 s28, $0x2;
	[sflag:s5] =	ssyncset.done @!p0 $0x0  }
0x8b: {  	s4 =	sadd.s32 @!p0 $0x280, s1;
	[sflag:s5] =	ssyncadd.s32 @!p0 $0xFFFFC000;
	s5 =	simm.s32 @!p0 $0x2  }
0x8c: {  	[tilespmem:s10], [sflag:$0x1] =	stream.indirect.gather @!p0 [hbm4b:s2+s7], $0x80, s4, s7, $0xb8;
	[tilespmem:$0x15C00] =	vst v63  }
0x8d: {  	_ =	swait.ge @!p0 [sflag:s5], $0x4000  }
0x8e: {  	s4 =	simm.s32 @!p0 $0x5C00;
	[sflag:s5] =	ssyncset.done @!p0 $0x0  }
0x8f: {  	s10 =	sadd.s32 @!p0 $0x10000, s26;
	[sflag:s5] =	ssyncadd.s32 @!p0 $0xFFFFC000;
	s5 =	simm.s32 @!p0 $0x0  }
0x90: {  	[hbm4b:s10+s5] =	stream.linear.scatter @!p0 [tilespmem:s4], [sflag:$0x7], $0x4000, $0x38;
	[tilespmem:$0x15C00] =	vst v63  }
0x91: {  	s10 =	simm.s32 @!p0 $0x7  }
0x92: {  	_ =	swait.ge @!p0 [sflag:s10], $0x4000  }
0x93: {  	[sflag:s10] =	ssyncset.done @!p0 $0x0  }
0x94: {  	[sflag:s10] =	ssyncadd.s32 @!p0 $0xFFFFC000;
	s10 =	sadd.s32 @!p0 $0x300, s1  }
0x95: {  	[tilespmem:s4], [sflag:$0x2] =	stream.indirect.gather @!p0 [hbm4b:s2+s7], $0x80, s10, s7, $0xb8;
	[tilespmem:$0x15C00] =	vst v63  }
0x96: {  	_ =	swait.ge [sflag:s17], $0x4000  }
0x97: {  	[sflag:s17] =	ssyncset.done $0x0  }
0x98: {  	s29 =	sadd.s32 $0x20000, s26;
	s10 =	simm.s32 @p0 $0x4;
	[sflag:s17] =	ssyncadd.s32 $0xFFFFC000  }
0x99: {  	[hbm4b:s29+s3] =	stream.linear.scatter [tilespmem:s12], [sflag:$0x8], $0x4000, $0x38;
	[tilespmem:$0x15C00] =	vst v63  }
0x9a: {  	_ =	swait.ge @p0 [sflag:s10], $0x4000  }
0x9b: {  	[sflag:s10] =	ssyncset.done @p0 $0x0  }
0x9c: {  	s4 =	rddreg [dreg:$0x5];
	[sflag:s10] =	ssyncadd.s32 @p0 $0xFFFFC000;
	s10 =	simm.s32 @p0 $0xDC00  }
0x9d: {  	[hbm4b:s4+s0] =	stream.linear.scatter @p0 [tilespmem:s10], [sflag:$0x9], $0x4000, $0x38;
	[tilespmem:$0x15C00] =	vst v63  }
0x9e: {  	s0 =	simm.s32 @!p0 $0x8  }
0x9f: {  	_ =	swait.ge @!p0 [sflag:s0], $0x4000  }
0xa0: {  	[sflag:s0] =	ssyncset.done @!p0 $0x0  }
0xa1: {  	s4 =	sadd.s32 @!p0 $0x380, s1;
	[sflag:s0] =	ssyncadd.s32 @!p0 $0xFFFFC000;
	s0 =	simm.s32 @!p0 $0x9C00  }
0xa2: {  	[tilespmem:s0], [sflag:$0x3] =	stream.indirect.gather @!p0 [hbm4b:s2+s7], $0x80, s4, s7, $0xb8;
	[tilespmem:$0x15C00] =	vst v63  }
0xa3: {  	s0 =	simm.s32 @!p0 $0x4  }
0xa4: {  	_ =	swait.ge @!p0 [sflag:s0], $0x4000  }
0xa5: {  	[sflag:s0] =	ssyncset.done @!p0 $0x0  }
0xa6: {  	s4 =	sadd.s32 @!p0 $0x30000, s26;
	[sflag:s0] =	ssyncadd.s32 @!p0 $0xFFFFC000;
	s0 =	simm.s32 @!p0 $0xDC00  }
0xa7: {  	[hbm4b:s4+s5] =	stream.linear.scatter @!p0 [tilespmem:s0], [sflag:$0x9], $0x4000, $0x38;
	[tilespmem:$0x15C00] =	vst v63  }
0xa8: {  	s4 =	simm.s32 @!p0 $0x9  }
0xa9: {  	_ =	swait.ge @!p0 [sflag:s4], $0x4000  }
0xaa: {  	[sflag:s4] =	ssyncset.done @!p0 $0x0  }
0xab: {  	s1 =	sadd.s32 @!p0 $0x400, s1;
	[sflag:s4] =	ssyncadd.s32 @!p0 $0xFFFFC000  }
0xac: {  	[tilespmem:s0], [sflag:$0x4] =	stream.indirect.gather @!p0 [hbm4b:s2+s7], $0x80, s1, s7, $0xb8;
	[tilespmem:$0x15C00] =	vst v63  }
0xad: {  	_ =	swait.ge [sflag:s18], $0x4000  }
0xae: {  	[sflag:s18] =	ssyncset.done $0x0  }
0xaf: {  	s30 =	simm.s32 $0x6;
	[sflag:s18] =	ssyncadd.s32 $0xFFFFC000  }
0xb0: {  	[hbm4b:s25+s3] =	stream.linear.scatter [tilespmem:s15], [sflag:$0xA], $0x4000, $0x38;
	[tilespmem:$0x15C00] =	vst v63  }
0xb1: {  	_ =	swait.ge [sflag:s30], $0x4000  }
0xb2: {  	[sflag:s30] =	ssyncset.done $0x0  }
0xb3: {  	[sflag:s30] =	ssyncadd.s32 $0xFFFFC000  }
0xb4: {  	_ =	swait.ge [sflag:s20], $0x4000  }
0xb5: {  	[sflag:s20] =	ssyncset.done $0x0  }
0xb6: {  	[sflag:s20] =	ssyncadd.s32 $0xFFFFC000  }
0xb7: {  	_ =	swait.ge [sflag:s21], $0x4000  }
0xb8: {  	[sflag:s21] =	ssyncset.done $0x0  }
0xb9: {  	[sflag:s21] =	ssyncadd.s32 $0xFFFFC000  }
0xba: {  	_ =	swait.ge [sflag:s22], $0x4000  }
0xbb: {  	[sflag:s22] =	ssyncset.done $0x0  }
0xbc: {  	[sflag:s22] =	ssyncadd.s32 $0xFFFFC000  }
0xbd: {  	_ =	swait.ge [sflag:s23], $0x4000  }
0xbe: {  	s24 =	sadd.s32 $0x1, s24;
	s31 =	rddreg [dreg:$0x7]  }
0xbf: {  	p0 =	sne.s32 s24, s31  }
.Ltmp1:
0xc0: {  	_ = 	snop;
	(pc) =	sbr.rel @p0 .LBB2_1-.Ltmp1, $3  }
0xc1: {  	_ =	sdelay $0x1  }
0xc2: {  	[sflag:s23] =	ssyncset.done $0x0  }
0xc3: {  	[sflag:s23] =	ssyncadd.s32 $0xFFFFC000  }
0xc4: {  	_ =	sfence.sel $0x180000  }
0xc5: {  	[bflag:$0x0] =	sbarrier.arrive $0xFFFF  }
0xc6: {  	_ =	strace $0x90000047  }
0xc7: {  	s0 =	stileid.u32;
	[bflag:$0x2] =	sbarrier.arrive $0xFFFF  }
0xc8: {  	p0 =	sne.s32 s0, $0x0;
	s0 =	rddreg [dreg:$0x3]  }
0xc9: {  	s0 =	sadd.s32 @!p0 $0x100000, s0  }
0xca: {  	[sflag:s0] =	ssyncadd.tile.s32 @!p0 $0x1;
	_ =	shalt  }
.Lfunc_end2:
_tile_overlayer_lowered:
.L_overlay_start_2:
0xcb: {  	(tag) =	ssettag $0x2  }
0xcc: {  	s0 =	rddreg [dreg:$0x0];
	s2 =	stileid.u32  }
0xcd: {  	s1 =	rddreg [dreg:$0x1];
	p0 =	sne.s32 s2, $0x0  }
0xce: {  	s3 =	rddreg [dreg:$0x2];
	[bflag:$0x3] =	sbarrier.arrive $0xFFFF;
	s2 =	simm.s32 @!p0 $0x1C0B  }
0xcf: {  	[timem:s3], [sflag:s2] =	dma.local @!p0 [hbm:s0], s1  }
0xd0: {  	s0 =	simm.s32 @!p0 $0xB  }
0xd1: {  	_ =	swait.ge @!p0 [sflag:s0], s1  }
0xd2: {  	s1 =	ssub.s32 @!p0 $0x0, s1;
	[sflag:s0] =	ssyncset.done @!p0 $0x0  }
0xd3: {  	[sflag:s0] =	ssyncadd.s32 @!p0 s1  }
0xd4: {  	[bflag:$0x3] =	sbarrier.arrive $0xFFFF  }
0xd5: {  	_ =	shalt  }

</sc_bundles>
